<compile_context>
chip_gen: v7x
topology: tpu7x:2x2x1
jax: 0.10.2.dev20260603
libtpu: 0.0.44.dev20260713+nightly
codegen_flags: <defaults>
</compile_context>

<pallas_src>
import functools

import jax
import jax.numpy as jnp
from jax import lax
from jax.experimental import pallas as pl
from jax.experimental.pallas import tpu as pltpu
from jax.experimental.pallas import tpu_sc as plsc

L = 16
TW = 128
CHUNK = 128


def _build_call(N, D, CT_V, DP_V):
    NW = 32
    rows_per_w = N // NW
    n_chunks = rows_per_w // CHUNK
    OUTD = 5 * D

    mesh = plsc.VectorSubcoreMesh(core_axis_name="c", subcore_axis_name="s")

    @functools.partial(
        pl.kernel,
        mesh=mesh,
        compiler_params=pltpu.CompilerParams(needs_layout_passes=False),
        out_type=jax.ShapeDtypeStruct((N, OUTD), jnp.float32),
        scratch_types=[
            pltpu.VMEM((4, CHUNK), jnp.int32),
            pltpu.VMEM((2, CHUNK, TW), jnp.float32),
            pltpu.VMEM((CHUNK, 5 * D), jnp.float32),
            pltpu.VMEM((CHUNK * 4,), jnp.float32),
            pltpu.VMEM((CT_V, D), jnp.float32),
            pltpu.VMEM((DP_V, D), jnp.float32),
            pltpu.VMEM((4 * D,), jnp.float32),
            pltpu.VMEM((D,), jnp.float32),
            pltpu.SemaphoreType.DMA,
        ],
    )
    def call(ids_all, props, ct_tab, co_tab, fn_tab, dp_tab, w_hbm, b_hbm,
             out, idx_v, rows_v, comb_v, p_v, ct_v, dp_v, w_v, b_v, sem):
        wid = lax.axis_index("s") * 2 + lax.axis_index("c")
        pltpu.sync_copy(w_hbm, w_v)
        pltpu.sync_copy(b_hbm, b_v)
        pltpu.sync_copy(ct_tab, ct_v)
        pltpu.sync_copy(dp_tab, dp_v)
        lanes = lax.iota(jnp.int32, L)
        nh = D // L
        wv = [[plsc.load_gather(w_v, [lanes + (f * D + h * L)])
               for h in range(nh)] for f in range(4)]
        bv = [plsc.load_gather(b_v, [lanes + h * L]) for h in range(nh)]
        kf = [jnp.full((L,), k, jnp.int32) for k in range(4)]
        lh = [lanes + h * L for h in range(nh)]
        ch = [[lanes + (k * D + h * L) for h in range(nh)] for k in range(5)]

        def chunk_body(i, carry):
            base = wid * rows_per_w + i * CHUNK
            pltpu.sync_copy(ids_all.at[:, pl.ds(base, CHUNK)], idx_v)
            pltpu.sync_copy(props.at[pl.ds(base * 4, CHUNK * 4)], p_v)
            c_co = pltpu.async_copy(co_tab.at[idx_v.at[1]], rows_v.at[0], sem)
            c_fn = pltpu.async_copy(fn_tab.at[idx_v.at[2]], rows_v.at[1], sem)

            def exec_row(n, c2):
                nn = jnp.full((L,), n, jnp.int32)
                pf = [plsc.load_gather(
                          p_v, [jnp.full((L,), n * 4 + f, jnp.int32)])
                      for f in range(4)]
                for h in range(nh):
                    acc = bv[h]
                    for f in range(4):
                        acc = acc + pf[f] * wv[f][h]
                    acc = jnp.maximum(acc, 0.0)
                    plsc.store_scatter(comb_v, [nn, ch[4][h]], acc)
                ct_id = plsc.load_gather(idx_v, [kf[0], nn])
                dp_id = plsc.load_gather(idx_v, [kf[3], nn])
                for h in range(nh):
                    v = plsc.load_gather(ct_v, [ct_id, lh[h]])
                    plsc.store_scatter(comb_v, [nn, ch[0][h]], v)
                    v = plsc.load_gather(dp_v, [dp_id, lh[h]])
                    plsc.store_scatter(comb_v, [nn, ch[3][h]], v)
                return c2

            lax.fori_loop(0, CHUNK, exec_row, 0)
            c_co.wait()
            c_fn.wait()

            def asm_row(n, c2):
                nn = jnp.full((L,), n, jnp.int32)
                for k in range(2):
                    for h in range(nh):
                        v = plsc.load_gather(rows_v, [kf[k], nn, lh[h]])
                        plsc.store_scatter(comb_v, [nn, ch[1 + k][h]], v)
                return c2

            lax.fori_loop(0, CHUNK, asm_row, 0)
            pltpu.sync_copy(comb_v, out.at[pl.ds(base, CHUNK)])
            return carry

        lax.fori_loop(0, n_chunks, chunk_body, 0)

    return call


def kernel(call_type_ids, contract_ids, func_selector_ids, depths,
           exec_properties, call_type_table, contract_table, func_table,
           depth_table, W_exec, b_exec):
    B, S = call_type_ids.shape
    D = call_type_table.shape[1]
    N = B * S

    ids_all = jnp.stack([
        call_type_ids.reshape(N).astype(jnp.int32),
        contract_ids.reshape(N).astype(jnp.int32),
        func_selector_ids.reshape(N).astype(jnp.int32),
        depths.reshape(N).astype(jnp.int32),
    ])
    co_pad = jnp.pad(contract_table, ((0, 0), (0, TW - D)))
    fn_pad = jnp.pad(func_table, ((0, 0), (0, TW - D)))

    out = _build_call(N, D, call_type_table.shape[0], depth_table.shape[0])(
        ids_all, exec_properties.reshape(N * 4).astype(jnp.float32),
        call_type_table, co_pad, fn_pad, depth_table,
        W_exec.reshape(4 * D), b_exec)
    return out.reshape(B, S, 5 * D)

# --- scband reference (transcript-rebuilt; emitter-appended) ---
"""Pipeline reference for scband-call-event-embedding-78847009620733 (READ-ONLY COPY).

The authoritative reference and input builder live on the scoring server;
editing this copy changes nothing except your own understanding.
"""

import jax, jax.numpy as jnp
import numpy as np

B, S, D = 4096, 200, 32
CALL_TYPE_V, CONTRACT_V, FUNC_V, DEPTH_V = 10, 50000, 100000, 50

def setup_inputs(seed: int = 0) -> dict:
    key = jax.random.key(seed)
    ks = jax.random.split(key, 11)
    call_type_ids = jax.random.randint(ks[0], (B, S), 0, CALL_TYPE_V)
    contract_ids = jax.random.randint(ks[1], (B, S), 0, CONTRACT_V)
    func_selector_ids = jax.random.randint(ks[2], (B, S), 0, FUNC_V)
    depths = jax.random.randint(ks[3], (B, S), 0, DEPTH_V)
    exec_properties = jax.random.normal(ks[4], (B, S, 4), dtype=jnp.float32)
    # embedding tables (torch nn.Embedding init ~ N(0,1); padding_idx=0 row zeroed)
    call_type_table = jax.random.normal(ks[5], (CALL_TYPE_V, D), dtype=jnp.float32).at[0].set(0.0)
    contract_table = jax.random.normal(ks[6], (CONTRACT_V, D), dtype=jnp.float32).at[0].set(0.0)
    func_table = jax.random.normal(ks[7], (FUNC_V, D), dtype=jnp.float32).at[0].set(0.0)
    depth_table = jax.random.normal(ks[8], (DEPTH_V, D), dtype=jnp.float32)
    # Linear(4, D) params, torch default uniform(-1/sqrt(4), 1/sqrt(4))
    bound = 1.0 / np.sqrt(4.0)
    W_exec = jax.random.uniform(ks[9], (4, D), minval=-bound, maxval=bound, dtype=jnp.float32)
    b_exec = jax.random.uniform(ks[10], (D,), minval=-bound, maxval=bound, dtype=jnp.float32)
    return {
        'call_type_ids': call_type_ids,
        'contract_ids': contract_ids,
        'func_selector_ids': func_selector_ids,
        'depths': depths,
        'exec_properties': exec_properties,
        'call_type_table': call_type_table,
        'contract_table': contract_table,
        'func_table': func_table,
        'depth_table': depth_table,
        'W_exec': W_exec,
        'b_exec': b_exec,
    }

def reference(call_type_ids, contract_ids, func_selector_ids, depths, exec_properties,
              call_type_table, contract_table, func_table, depth_table, W_exec, b_exec):
    type_emb = jnp.take(call_type_table, call_type_ids, axis=0)
    contract_emb = jnp.take(contract_table, contract_ids, axis=0)
    func_emb = jnp.take(func_table, func_selector_ids, axis=0)
    depth_emb = jnp.take(depth_table, depths, axis=0)
    # exec_proj: Linear(4, D) -> ReLU -> Dropout (eval mode: identity)
    exec_emb = jax.nn.relu(jnp.einsum('bsf,fd->bsd', exec_properties, W_exec) + b_exec)
    combined = jnp.concatenate([type_emb, contract_emb, func_emb, depth_emb, exec_emb], axis=-1)
    return combined

if __name__ == "__main__":
    import jax
    _d = setup_inputs()
    print(jax.jit(kernel)(*tuple(_d.values())))

</pallas_src>

<mosaic_0001>
#map = affine_map<(d0, d1) -> (0, 0)>
#map1 = affine_map<(d0, d1) -> (0)>
module attributes {stable_mosaic.version = 14 : i64} {
  func.func @call(%arg0: i32, %arg1: i32, %arg2: memref<4x819200xi32, #tpu.memory_space<hbm>>, %arg3: memref<3276800xf32, #tpu.memory_space<hbm>>, %arg4: memref<10x32xf32, #tpu.memory_space<hbm>>, %arg5: memref<50000x128xf32, #tpu.memory_space<hbm>>, %arg6: memref<100000x128xf32, #tpu.memory_space<hbm>>, %arg7: memref<50x32xf32, #tpu.memory_space<hbm>>, %arg8: memref<128xf32, #tpu.memory_space<hbm>>, %arg9: memref<32xf32, #tpu.memory_space<hbm>>, %arg10: memref<819200x160xf32, #tpu.memory_space<hbm>>, %arg11: memref<4x128xi32, #tpu.memory_space<vmem>>, %arg12: memref<2x128x128xf32, #tpu.memory_space<vmem>>, %arg13: memref<128x160xf32, #tpu.memory_space<vmem>>, %arg14: memref<512xf32, #tpu.memory_space<vmem>>, %arg15: memref<10x32xf32, #tpu.memory_space<vmem>>, %arg16: memref<50x32xf32, #tpu.memory_space<vmem>>, %arg17: memref<128xf32, #tpu.memory_space<vmem>>, %arg18: memref<32xf32, #tpu.memory_space<vmem>>, %arg19: memref<!tpu.dma_semaphore, #tpu.memory_space<semaphore_mem>>) attributes {dimension_semantics = [#tpu.dimension_semantics<core_parallel>, #tpu.dimension_semantics<subcore_parallel>], iteration_bounds = array<i64: 2, 16>, scalar_prefetch = 0 : i64, scratch_operands = 9 : i64, tpu.core_type = #tpu.core_type<sc_vector_subcore>, window_params = [{transform_indices = #map}, {transform_indices = #map1}, {transform_indices = #map}, {transform_indices = #map}, {transform_indices = #map}, {transform_indices = #map}, {transform_indices = #map1}, {transform_indices = #map1}, {transform_indices = #map}]} {
    %mul3A = arith.constant 2 : i32
    %mul3A_0 = arith.muli %arg1, %mul3A : i32
    %add3A = arith.addi %mul3A_0, %arg0 : i32
    "tpu.region"() ({
      %run_scoped3A = tpu.sem_alloc : memref<!tpu.dma_semaphore, #tpu.memory_space<semaphore_mem>>
      tpu.enqueue_dma source(%arg8 : memref<128xf32, #tpu.memory_space<hbm>>) target(%arg17 : memref<128xf32, #tpu.memory_space<vmem>>) target_semaphore(%run_scoped3A : memref<!tpu.dma_semaphore, #tpu.memory_space<semaphore_mem>>)
      tpu.wait_dma2 semaphore(%run_scoped3A : memref<!tpu.dma_semaphore, #tpu.memory_space<semaphore_mem>>) src(%arg8 : memref<128xf32, #tpu.memory_space<hbm>>) dst(%arg17 : memref<128xf32, #tpu.memory_space<vmem>>)
      tpu.yield
    }) : () -> ()
    "tpu.region"() ({
      %run_scoped3A = tpu.sem_alloc : memref<!tpu.dma_semaphore, #tpu.memory_space<semaphore_mem>>
      tpu.enqueue_dma source(%arg9 : memref<32xf32, #tpu.memory_space<hbm>>) target(%arg18 : memref<32xf32, #tpu.memory_space<vmem>>) target_semaphore(%run_scoped3A : memref<!tpu.dma_semaphore, #tpu.memory_space<semaphore_mem>>)
      tpu.wait_dma2 semaphore(%run_scoped3A : memref<!tpu.dma_semaphore, #tpu.memory_space<semaphore_mem>>) src(%arg9 : memref<32xf32, #tpu.memory_space<hbm>>) dst(%arg18 : memref<32xf32, #tpu.memory_space<vmem>>)
      tpu.yield
    }) : () -> ()
    "tpu.region"() ({
      %run_scoped3A = tpu.sem_alloc : memref<!tpu.dma_semaphore, #tpu.memory_space<semaphore_mem>>
      tpu.enqueue_dma source(%arg4 : memref<10x32xf32, #tpu.memory_space<hbm>>) target(%arg15 : memref<10x32xf32, #tpu.memory_space<vmem>>) target_semaphore(%run_scoped3A : memref<!tpu.dma_semaphore, #tpu.memory_space<semaphore_mem>>)
      tpu.wait_dma2 semaphore(%run_scoped3A : memref<!tpu.dma_semaphore, #tpu.memory_space<semaphore_mem>>) src(%arg4 : memref<10x32xf32, #tpu.memory_space<hbm>>) dst(%arg15 : memref<10x32xf32, #tpu.memory_space<vmem>>)
      tpu.yield
    }) : () -> ()
    "tpu.region"() ({
      %run_scoped3A = tpu.sem_alloc : memref<!tpu.dma_semaphore, #tpu.memory_space<semaphore_mem>>
      tpu.enqueue_dma source(%arg7 : memref<50x32xf32, #tpu.memory_space<hbm>>) target(%arg16 : memref<50x32xf32, #tpu.memory_space<vmem>>) target_semaphore(%run_scoped3A : memref<!tpu.dma_semaphore, #tpu.memory_space<semaphore_mem>>)
      tpu.wait_dma2 semaphore(%run_scoped3A : memref<!tpu.dma_semaphore, #tpu.memory_space<semaphore_mem>>) src(%arg7 : memref<50x32xf32, #tpu.memory_space<hbm>>) dst(%arg16 : memref<50x32xf32, #tpu.memory_space<vmem>>)
      tpu.yield
    }) : () -> ()
    %iota3A = tpu.iota {dimensions = array<i32: 0>} : vector<16xi32>
    %add3A_1 = arith.constant 0 : i32
    %add3A_2 = vector.broadcast %add3A_1 : i32 to vector<16xi32>
    %add3A_3 = arith.addi %iota3A, %add3A_2 : vector<16xi32>
    %gather3A = tpu.vector_load_idx %arg17[%add3A_3] : memref<128xf32, #tpu.memory_space<vmem>>[vector<16xi32>], vector<16xf32>,
    %add3A_4 = arith.constant 16 : i32
    %add3A_5 = vector.broadcast %add3A_4 : i32 to vector<16xi32>
    %add3A_6 = arith.addi %iota3A, %add3A_5 : vector<16xi32>
    %gather3A_7 = tpu.vector_load_idx %arg17[%add3A_6] : memref<128xf32, #tpu.memory_space<vmem>>[vector<16xi32>], vector<16xf32>,
    %add3A_8 = arith.constant 32 : i32
    %add3A_9 = vector.broadcast %add3A_8 : i32 to vector<16xi32>
    %add3A_10 = arith.addi %iota3A, %add3A_9 : vector<16xi32>
    %gather3A_11 = tpu.vector_load_idx %arg17[%add3A_10] : memref<128xf32, #tpu.memory_space<vmem>>[vector<16xi32>], vector<16xf32>,
    %add3A_12 = arith.constant 48 : i32
    %add3A_13 = vector.broadcast %add3A_12 : i32 to vector<16xi32>
    %add3A_14 = arith.addi %iota3A, %add3A_13 : vector<16xi32>
    %gather3A_15 = tpu.vector_load_idx %arg17[%add3A_14] : memref<128xf32, #tpu.memory_space<vmem>>[vector<16xi32>], vector<16xf32>,
    %add3A_16 = arith.constant 64 : i32
    %add3A_17 = vector.broadcast %add3A_16 : i32 to vector<16xi32>
    %add3A_18 = arith.addi %iota3A, %add3A_17 : vector<16xi32>
    %gather3A_19 = tpu.vector_load_idx %arg17[%add3A_18] : memref<128xf32, #tpu.memory_space<vmem>>[vector<16xi32>], vector<16xf32>,
    %add3A_20 = arith.constant 80 : i32
    %add3A_21 = vector.broadcast %add3A_20 : i32 to vector<16xi32>
    %add3A_22 = arith.addi %iota3A, %add3A_21 : vector<16xi32>
    %gather3A_23 = tpu.vector_load_idx %arg17[%add3A_22] : memref<128xf32, #tpu.memory_space<vmem>>[vector<16xi32>], vector<16xf32>,
    %add3A_24 = arith.constant 96 : i32
    %add3A_25 = vector.broadcast %add3A_24 : i32 to vector<16xi32>
    %add3A_26 = arith.addi %iota3A, %add3A_25 : vector<16xi32>
    %gather3A_27 = tpu.vector_load_idx %arg17[%add3A_26] : memref<128xf32, #tpu.memory_space<vmem>>[vector<16xi32>], vector<16xf32>,
    %add3A_28 = arith.constant 112 : i32
    %add3A_29 = vector.broadcast %add3A_28 : i32 to vector<16xi32>
    %add3A_30 = arith.addi %iota3A, %add3A_29 : vector<16xi32>
    %gather3A_31 = tpu.vector_load_idx %arg17[%add3A_30] : memref<128xf32, #tpu.memory_space<vmem>>[vector<16xi32>], vector<16xf32>,
    %add3A_32 = arith.constant 0 : i32
    %add3A_33 = vector.broadcast %add3A_32 : i32 to vector<16xi32>
    %add3A_34 = arith.addi %iota3A, %add3A_33 : vector<16xi32>
    %gather3A_35 = tpu.vector_load_idx %arg18[%add3A_34] : memref<32xf32, #tpu.memory_space<vmem>>[vector<16xi32>], vector<16xf32>,
    %add3A_36 = arith.constant 16 : i32
    %add3A_37 = vector.broadcast %add3A_36 : i32 to vector<16xi32>
    %add3A_38 = arith.addi %iota3A, %add3A_37 : vector<16xi32>
    %gather3A_39 = tpu.vector_load_idx %arg18[%add3A_38] : memref<32xf32, #tpu.memory_space<vmem>>[vector<16xi32>], vector<16xf32>,
    %broadcast_in_dim3A = arith.constant 0 : i32
    %broadcast_in_dim3A_40 = vector.broadcast %broadcast_in_dim3A : i32 to vector<16xi32>
    %broadcast_in_dim3A_41 = arith.constant 1 : i32
    %broadcast_in_dim3A_42 = vector.broadcast %broadcast_in_dim3A_41 : i32 to vector<16xi32>
    %broadcast_in_dim3A_43 = arith.constant 2 : i32
    %broadcast_in_dim3A_44 = vector.broadcast %broadcast_in_dim3A_43 : i32 to vector<16xi32>
    %broadcast_in_dim3A_45 = arith.constant 3 : i32
    %broadcast_in_dim3A_46 = vector.broadcast %broadcast_in_dim3A_45 : i32 to vector<16xi32>
    %add3A_47 = arith.constant 0 : i32
    %add3A_48 = vector.broadcast %add3A_47 : i32 to vector<16xi32>
    %add3A_49 = arith.addi %iota3A, %add3A_48 : vector<16xi32>
    %add3A_50 = arith.constant 16 : i32
    %add3A_51 = vector.broadcast %add3A_50 : i32 to vector<16xi32>
    %add3A_52 = arith.addi %iota3A, %add3A_51 : vector<16xi32>
    %add3A_53 = arith.constant 0 : i32
    %add3A_54 = vector.broadcast %add3A_53 : i32 to vector<16xi32>
    %add3A_55 = arith.addi %iota3A, %add3A_54 : vector<16xi32>
    %add3A_56 = arith.constant 16 : i32
    %add3A_57 = vector.broadcast %add3A_56 : i32 to vector<16xi32>
    %add3A_58 = arith.addi %iota3A, %add3A_57 : vector<16xi32>
    %add3A_59 = arith.constant 32 : i32
    %add3A_60 = vector.broadcast %add3A_59 : i32 to vector<16xi32>
    %add3A_61 = arith.addi %iota3A, %add3A_60 : vector<16xi32>
    %add3A_62 = arith.constant 48 : i32
    %add3A_63 = vector.broadcast %add3A_62 : i32 to vector<16xi32>
    %add3A_64 = arith.addi %iota3A, %add3A_63 : vector<16xi32>
    %add3A_65 = arith.constant 64 : i32
    %add3A_66 = vector.broadcast %add3A_65 : i32 to vector<16xi32>
    %add3A_67 = arith.addi %iota3A, %add3A_66 : vector<16xi32>
    %add3A_68 = arith.constant 80 : i32
    %add3A_69 = vector.broadcast %add3A_68 : i32 to vector<16xi32>
    %add3A_70 = arith.addi %iota3A, %add3A_69 : vector<16xi32>
    %add3A_71 = arith.constant 96 : i32
    %add3A_72 = vector.broadcast %add3A_71 : i32 to vector<16xi32>
    %add3A_73 = arith.addi %iota3A, %add3A_72 : vector<16xi32>
    %add3A_74 = arith.constant 112 : i32
    %add3A_75 = vector.broadcast %add3A_74 : i32 to vector<16xi32>
    %add3A_76 = arith.addi %iota3A, %add3A_75 : vector<16xi32>
    %add3A_77 = arith.constant 128 : i32
    %add3A_78 = vector.broadcast %add3A_77 : i32 to vector<16xi32>
    %add3A_79 = arith.addi %iota3A, %add3A_78 : vector<16xi32>
    %add3A_80 = arith.constant 144 : i32
    %add3A_81 = vector.broadcast %add3A_80 : i32 to vector<16xi32>
    %add3A_82 = arith.addi %iota3A, %add3A_81 : vector<16xi32>
    %scan3A = arith.constant 0 : i32
    %scan3A_83 = arith.constant 0 : i32
    %scan3A_84 = arith.constant 200 : i32
    %scan3A_85 = arith.addi %scan3A_83, %scan3A_84 : i32
    %scan3A_86 = arith.constant 1 : i32
    scf.for %scan3A_88 = %scan3A_83 to %scan3A_85 step %scan3A_86  : i32 {
      %mul3A_89 = arith.constant 25600 : i32
      %mul3A_90 = arith.muli %add3A, %mul3A_89 : i32
      %mul3A_91 = arith.constant 128 : i32
      %mul3A_92 = arith.muli %scan3A_88, %mul3A_91 : i32
      %add3A_93 = arith.addi %mul3A_90, %mul3A_92 : i32
      "tpu.region"() ({
        %run_scoped3A = tpu.sem_alloc : memref<!tpu.dma_semaphore, #tpu.memory_space<semaphore_mem>>
        %dma_start3A_154 = arith.constant 0 : i32
        %dma_start3A_155 = tpu.memref_slice %arg2[%dma_start3A_154, %add3A_93] : memref<4x819200xi32, #tpu.memory_space<hbm>> -> memref<4x128xi32, #tpu.memory_space<hbm>>
        %dma_start3A_156 = arith.constant 0 : i32
        %dma_start3A_157 = tpu.memref_slice %arg2[%dma_start3A_156, %add3A_93] : memref<4x819200xi32, #tpu.memory_space<hbm>> -> memref<4x128xi32, #tpu.memory_space<hbm>>
        tpu.enqueue_dma source(%dma_start3A_157 : memref<4x128xi32, #tpu.memory_space<hbm>>) target(%arg11 : memref<4x128xi32, #tpu.memory_space<vmem>>) target_semaphore(%run_scoped3A : memref<!tpu.dma_semaphore, #tpu.memory_space<semaphore_mem>>)
        %dma_wait3A_158 = arith.constant 0 : i32
        %dma_wait3A_159 = tpu.memref_slice %arg2[%dma_wait3A_158, %add3A_93] : memref<4x819200xi32, #tpu.memory_space<hbm>> -> memref<4x128xi32, #tpu.memory_space<hbm>>
        %dma_wait3A_160 = arith.constant 0 : i32
        %dma_wait3A_161 = tpu.memref_slice %arg2[%dma_wait3A_160, %add3A_93] : memref<4x819200xi32, #tpu.memory_space<hbm>> -> memref<4x128xi32, #tpu.memory_space<hbm>>
        tpu.wait_dma2 semaphore(%run_scoped3A : memref<!tpu.dma_semaphore, #tpu.memory_space<semaphore_mem>>) src(%dma_wait3A_161 : memref<4x128xi32, #tpu.memory_space<hbm>>) dst(%arg11 : memref<4x128xi32, #tpu.memory_space<vmem>>)
        tpu.yield
      }) : () -> ()
      %mul3A_94 = arith.constant 4 : i32
      %mul3A_95 = arith.muli %add3A_93, %mul3A_94 : i32
      "tpu.region"() ({
        %run_scoped3A = tpu.sem_alloc : memref<!tpu.dma_semaphore, #tpu.memory_space<semaphore_mem>>
        %dma_start3A_154 = tpu.memref_slice %arg3[%mul3A_95] : memref<3276800xf32, #tpu.memory_space<hbm>> -> memref<512xf32, #tpu.memory_space<hbm>>
        %dma_start3A_155 = tpu.memref_slice %arg3[%mul3A_95] : memref<3276800xf32, #tpu.memory_space<hbm>> -> memref<512xf32, #tpu.memory_space<hbm>>
        tpu.enqueue_dma source(%dma_start3A_155 : memref<512xf32, #tpu.memory_space<hbm>>) target(%arg14 : memref<512xf32, #tpu.memory_space<vmem>>) target_semaphore(%run_scoped3A : memref<!tpu.dma_semaphore, #tpu.memory_space<semaphore_mem>>)
        %dma_wait3A_156 = tpu.memref_slice %arg3[%mul3A_95] : memref<3276800xf32, #tpu.memory_space<hbm>> -> memref<512xf32, #tpu.memory_space<hbm>>
        %dma_wait3A_157 = tpu.memref_slice %arg3[%mul3A_95] : memref<3276800xf32, #tpu.memory_space<hbm>> -> memref<512xf32, #tpu.memory_space<hbm>>
        tpu.wait_dma2 semaphore(%run_scoped3A : memref<!tpu.dma_semaphore, #tpu.memory_space<semaphore_mem>>) src(%dma_wait3A_157 : memref<512xf32, #tpu.memory_space<hbm>>) dst(%arg14 : memref<512xf32, #tpu.memory_space<vmem>>)
        tpu.yield
      }) : () -> ()
      %dma_start3A = arith.constant 1 : i32
      %dma_start3A_96 = arith.constant 0 : i32
      %dma_start3A_97 = arith.constant 0 : i32
      %dma_start3A_98 = arith.constant 0 : i32
      %dma_start3A_99 = tpu.memref_slice %arg12[%dma_start3A_96, %dma_start3A_97, %dma_start3A_98] : memref<2x128x128xf32, #tpu.memory_space<vmem>> -> memref<1x128x128xf32, #tpu.memory_space<vmem>>
      %dma_start3A_100 = tpu.memref_squeeze %dma_start3A_99 : memref<1x128x128xf32, #tpu.memory_space<vmem>> -> memref<128x128xf32, #tpu.memory_space<vmem>>
      %dma_start3A_101 = arith.constant 0 : i32
      %dma_start3A_102 = tpu.memref_slice %arg11[%dma_start3A, %dma_start3A_101] : memref<4x128xi32, #tpu.memory_space<vmem>> -> memref<1x128xi32, #tpu.memory_space<vmem>>
      %dma_start3A_103 = tpu.memref_squeeze %dma_start3A_102 : memref<1x128xi32, #tpu.memory_space<vmem>> -> memref<128xi32, #tpu.memory_space<vmem>>
      %dma_start3A_104 = arith.constant 0 : i32
      %dma_start3A_105 = arith.constant 0 : i32
      %dma_start3A_106 = tpu.memref_slice %arg5[%dma_start3A_104, %dma_start3A_105] : memref<50000x128xf32, #tpu.memory_space<hbm>> -> memref<50000x128xf32, #tpu.memory_space<hbm>>
      tpu.enqueue_indirect_dma source(%dma_start3A_106 : memref<50000x128xf32, #tpu.memory_space<hbm>>) target(%dma_start3A_100 : memref<128x128xf32, #tpu.memory_space<vmem>>) offsets(%dma_start3A_103 : memref<128xi32, #tpu.memory_space<vmem>>) semaphore(%arg19 : memref<!tpu.dma_semaphore, #tpu.memory_space<semaphore_mem>>)
      %dma_start3A_107 = arith.constant 2 : i32
      %dma_start3A_108 = arith.constant 1 : i32
      %dma_start3A_109 = arith.constant 0 : i32
      %dma_start3A_110 = arith.constant 0 : i32
      %dma_start3A_111 = tpu.memref_slice %arg12[%dma_start3A_108, %dma_start3A_109, %dma_start3A_110] : memref<2x128x128xf32, #tpu.memory_space<vmem>> -> memref<1x128x128xf32, #tpu.memory_space<vmem>>
      %dma_start3A_112 = tpu.memref_squeeze %dma_start3A_111 : memref<1x128x128xf32, #tpu.memory_space<vmem>> -> memref<128x128xf32, #tpu.memory_space<vmem>>
      %dma_start3A_113 = arith.constant 0 : i32
      %dma_start3A_114 = tpu.memref_slice %arg11[%dma_start3A_107, %dma_start3A_113] : memref<4x128xi32, #tpu.memory_space<vmem>> -> memref<1x128xi32, #tpu.memory_space<vmem>>
      %dma_start3A_115 = tpu.memref_squeeze %dma_start3A_114 : memref<1x128xi32, #tpu.memory_space<vmem>> -> memref<128xi32, #tpu.memory_space<vmem>>
      %dma_start3A_116 = arith.constant 0 : i32
      %dma_start3A_117 = arith.constant 0 : i32
      %dma_start3A_118 = tpu.memref_slice %arg6[%dma_start3A_116, %dma_start3A_117] : memref<100000x128xf32, #tpu.memory_space<hbm>> -> memref<100000x128xf32, #tpu.memory_space<hbm>>
      tpu.enqueue_indirect_dma source(%dma_start3A_118 : memref<100000x128xf32, #tpu.memory_space<hbm>>) target(%dma_start3A_112 : memref<128x128xf32, #tpu.memory_space<vmem>>) offsets(%dma_start3A_115 : memref<128xi32, #tpu.memory_space<vmem>>) semaphore(%arg19 : memref<!tpu.dma_semaphore, #tpu.memory_space<semaphore_mem>>)
      %scan3A_119 = arith.constant 0 : i32
      %scan3A_120 = arith.constant 0 : i32
      %scan3A_121 = arith.constant 128 : i32
      %scan3A_122 = arith.addi %scan3A_120, %scan3A_121 : i32
      %scan3A_123 = arith.constant 1 : i32
      scf.for %scan3A_154 = %scan3A_120 to %scan3A_122 step %scan3A_123  : i32 {
        %broadcast_in_dim3A_155 = vector.broadcast %scan3A_154 : i32 to vector<16xi32>
        %mul3A_156 = arith.constant 4 : i32
        %mul3A_157 = arith.muli %scan3A_154, %mul3A_156 : i32
        %add3A_158 = arith.constant 0 : i32
        %add3A_159 = arith.addi %mul3A_157, %add3A_158 : i32
        %broadcast_in_dim3A_160 = vector.broadcast %add3A_159 : i32 to vector<16xi32>
        %gather3A_161 = tpu.vector_load_idx %arg14[%broadcast_in_dim3A_160] : memref<512xf32, #tpu.memory_space<vmem>>[vector<16xi32>], vector<16xf32>,
        %mul3A_162 = arith.constant 4 : i32
        %mul3A_163 = arith.muli %scan3A_154, %mul3A_162 : i32
        %add3A_164 = arith.constant 1 : i32
        %add3A_165 = arith.addi %mul3A_163, %add3A_164 : i32
        %broadcast_in_dim3A_166 = vector.broadcast %add3A_165 : i32 to vector<16xi32>
        %gather3A_167 = tpu.vector_load_idx %arg14[%broadcast_in_dim3A_166] : memref<512xf32, #tpu.memory_space<vmem>>[vector<16xi32>], vector<16xf32>,
        %mul3A_168 = arith.constant 4 : i32
        %mul3A_169 = arith.muli %scan3A_154, %mul3A_168 : i32
        %add3A_170 = arith.constant 2 : i32
        %add3A_171 = arith.addi %mul3A_169, %add3A_170 : i32
        %broadcast_in_dim3A_172 = vector.broadcast %add3A_171 : i32 to vector<16xi32>
        %gather3A_173 = tpu.vector_load_idx %arg14[%broadcast_in_dim3A_172] : memref<512xf32, #tpu.memory_space<vmem>>[vector<16xi32>], vector<16xf32>,
        %mul3A_174 = arith.constant 4 : i32
        %mul3A_175 = arith.muli %scan3A_154, %mul3A_174 : i32
        %add3A_176 = arith.constant 3 : i32
        %add3A_177 = arith.addi %mul3A_175, %add3A_176 : i32
        %broadcast_in_dim3A_178 = vector.broadcast %add3A_177 : i32 to vector<16xi32>
        %gather3A_179 = tpu.vector_load_idx %arg14[%broadcast_in_dim3A_178] : memref<512xf32, #tpu.memory_space<vmem>>[vector<16xi32>], vector<16xf32>,
        %mul3A_180 = arith.mulf %gather3A_161, %gather3A : vector<16xf32>
        %add3A_181 = arith.addf %gather3A_35, %mul3A_180 : vector<16xf32>
        %mul3A_182 = arith.mulf %gather3A_167, %gather3A_11 : vector<16xf32>
        %add3A_183 = arith.addf %add3A_181, %mul3A_182 : vector<16xf32>
        %mul3A_184 = arith.mulf %gather3A_173, %gather3A_19 : vector<16xf32>
        %add3A_185 = arith.addf %add3A_183, %mul3A_184 : vector<16xf32>
        %mul3A_186 = arith.mulf %gather3A_179, %gather3A_27 : vector<16xf32>
        %add3A_187 = arith.addf %add3A_185, %mul3A_186 : vector<16xf32>
        %max3A = arith.constant 0.000000e+00 : f32
        %max3A_188 = vector.broadcast %max3A : f32 to vector<16xf32>
        %max3A_189 = arith.maximumf %add3A_187, %max3A_188 : vector<16xf32>
        tpu.vector_store_idx %arg13[%broadcast_in_dim3A_155, %add3A_79], %max3A_189 : memref<128x160xf32, #tpu.memory_space<vmem>>[vector<16xi32>, vector<16xi32>], vector<16xf32>,
        %mul3A_190 = arith.mulf %gather3A_161, %gather3A_7 : vector<16xf32>
        %add3A_191 = arith.addf %gather3A_39, %mul3A_190 : vector<16xf32>
        %mul3A_192 = arith.mulf %gather3A_167, %gather3A_15 : vector<16xf32>
        %add3A_193 = arith.addf %add3A_191, %mul3A_192 : vector<16xf32>
        %mul3A_194 = arith.mulf %gather3A_173, %gather3A_23 : vector<16xf32>
        %add3A_195 = arith.addf %add3A_193, %mul3A_194 : vector<16xf32>
        %mul3A_196 = arith.mulf %gather3A_179, %gather3A_31 : vector<16xf32>
        %add3A_197 = arith.addf %add3A_195, %mul3A_196 : vector<16xf32>
        %max3A_198 = arith.constant 0.000000e+00 : f32
        %max3A_199 = vector.broadcast %max3A_198 : f32 to vector<16xf32>
        %max3A_200 = arith.maximumf %add3A_197, %max3A_199 : vector<16xf32>
        tpu.vector_store_idx %arg13[%broadcast_in_dim3A_155, %add3A_82], %max3A_200 : memref<128x160xf32, #tpu.memory_space<vmem>>[vector<16xi32>, vector<16xi32>], vector<16xf32>,
        %gather3A_201 = tpu.vector_load_idx %arg11[%broadcast_in_dim3A_40, %broadcast_in_dim3A_155] : memref<4x128xi32, #tpu.memory_space<vmem>>[vector<16xi32>, vector<16xi32>], vector<16xi32>,
        %gather3A_202 = tpu.vector_load_idx %arg11[%broadcast_in_dim3A_46, %broadcast_in_dim3A_155] : memref<4x128xi32, #tpu.memory_space<vmem>>[vector<16xi32>, vector<16xi32>], vector<16xi32>,
        %gather3A_203 = tpu.vector_load_idx %arg15[%gather3A_201, %add3A_49] : memref<10x32xf32, #tpu.memory_space<vmem>>[vector<16xi32>, vector<16xi32>], vector<16xf32>,
        tpu.vector_store_idx %arg13[%broadcast_in_dim3A_155, %add3A_55], %gather3A_203 : memref<128x160xf32, #tpu.memory_space<vmem>>[vector<16xi32>, vector<16xi32>], vector<16xf32>,
        %gather3A_204 = tpu.vector_load_idx %arg16[%gather3A_202, %add3A_49] : memref<50x32xf32, #tpu.memory_space<vmem>>[vector<16xi32>, vector<16xi32>], vector<16xf32>,
        tpu.vector_store_idx %arg13[%broadcast_in_dim3A_155, %add3A_73], %gather3A_204 : memref<128x160xf32, #tpu.memory_space<vmem>>[vector<16xi32>, vector<16xi32>], vector<16xf32>,
        %gather3A_205 = tpu.vector_load_idx %arg15[%gather3A_201, %add3A_52] : memref<10x32xf32, #tpu.memory_space<vmem>>[vector<16xi32>, vector<16xi32>], vector<16xf32>,
        tpu.vector_store_idx %arg13[%broadcast_in_dim3A_155, %add3A_58], %gather3A_205 : memref<128x160xf32, #tpu.memory_space<vmem>>[vector<16xi32>, vector<16xi32>], vector<16xf32>,
        %gather3A_206 = tpu.vector_load_idx %arg16[%gather3A_202, %add3A_52] : memref<50x32xf32, #tpu.memory_space<vmem>>[vector<16xi32>, vector<16xi32>], vector<16xf32>,
        tpu.vector_store_idx %arg13[%broadcast_in_dim3A_155, %add3A_76], %gather3A_206 : memref<128x160xf32, #tpu.memory_space<vmem>>[vector<16xi32>, vector<16xi32>], vector<16xf32>,
      }
      %scan3A_124 = arith.constant 128 : i32
      %dma_wait3A = arith.constant 1 : i32
      %dma_wait3A_125 = arith.constant 0 : i32
      %dma_wait3A_126 = arith.constant 0 : i32
      %dma_wait3A_127 = arith.constant 0 : i32
      %dma_wait3A_128 = tpu.memref_slice %arg12[%dma_wait3A_125, %dma_wait3A_126, %dma_wait3A_127] : memref<2x128x128xf32, #tpu.memory_space<vmem>> -> memref<1x128x128xf32, #tpu.memory_space<vmem>>
      %dma_wait3A_129 = tpu.memref_squeeze %dma_wait3A_128 : memref<1x128x128xf32, #tpu.memory_space<vmem>> -> memref<128x128xf32, #tpu.memory_space<vmem>>
      %dma_wait3A_130 = arith.constant 0 : i32
      %dma_wait3A_131 = tpu.memref_slice %arg11[%dma_wait3A, %dma_wait3A_130] : memref<4x128xi32, #tpu.memory_space<vmem>> -> memref<1x128xi32, #tpu.memory_space<vmem>>
      %dma_wait3A_132 = tpu.memref_squeeze %dma_wait3A_131 : memref<1x128xi32, #tpu.memory_space<vmem>> -> memref<128xi32, #tpu.memory_space<vmem>>
      %dma_wait3A_133 = arith.constant 0 : i32
      %dma_wait3A_134 = arith.constant 0 : i32
      %dma_wait3A_135 = tpu.memref_slice %arg5[%dma_wait3A_133, %dma_wait3A_134] : memref<50000x128xf32, #tpu.memory_space<hbm>> -> memref<50000x128xf32, #tpu.memory_space<hbm>>
      tpu.wait_indirect_dma semaphore(%arg19 : memref<!tpu.dma_semaphore, #tpu.memory_space<semaphore_mem>>) src(%dma_wait3A_135 : memref<50000x128xf32, #tpu.memory_space<hbm>>) dst(%dma_wait3A_129 : memref<128x128xf32, #tpu.memory_space<vmem>>)
      %dma_wait3A_136 = arith.constant 2 : i32
      %dma_wait3A_137 = arith.constant 1 : i32
      %dma_wait3A_138 = arith.constant 0 : i32
      %dma_wait3A_139 = arith.constant 0 : i32
      %dma_wait3A_140 = tpu.memref_slice %arg12[%dma_wait3A_137, %dma_wait3A_138, %dma_wait3A_139] : memref<2x128x128xf32, #tpu.memory_space<vmem>> -> memref<1x128x128xf32, #tpu.memory_space<vmem>>
      %dma_wait3A_141 = tpu.memref_squeeze %dma_wait3A_140 : memref<1x128x128xf32, #tpu.memory_space<vmem>> -> memref<128x128xf32, #tpu.memory_space<vmem>>
      %dma_wait3A_142 = arith.constant 0 : i32
      %dma_wait3A_143 = tpu.memref_slice %arg11[%dma_wait3A_136, %dma_wait3A_142] : memref<4x128xi32, #tpu.memory_space<vmem>> -> memref<1x128xi32, #tpu.memory_space<vmem>>
      %dma_wait3A_144 = tpu.memref_squeeze %dma_wait3A_143 : memref<1x128xi32, #tpu.memory_space<vmem>> -> memref<128xi32, #tpu.memory_space<vmem>>
      %dma_wait3A_145 = arith.constant 0 : i32
      %dma_wait3A_146 = arith.constant 0 : i32
      %dma_wait3A_147 = tpu.memref_slice %arg6[%dma_wait3A_145, %dma_wait3A_146] : memref<100000x128xf32, #tpu.memory_space<hbm>> -> memref<100000x128xf32, #tpu.memory_space<hbm>>
      tpu.wait_indirect_dma semaphore(%arg19 : memref<!tpu.dma_semaphore, #tpu.memory_space<semaphore_mem>>) src(%dma_wait3A_147 : memref<100000x128xf32, #tpu.memory_space<hbm>>) dst(%dma_wait3A_141 : memref<128x128xf32, #tpu.memory_space<vmem>>)
      %scan3A_148 = arith.constant 0 : i32
      %scan3A_149 = arith.constant 0 : i32
      %scan3A_150 = arith.constant 128 : i32
      %scan3A_151 = arith.addi %scan3A_149, %scan3A_150 : i32
      %scan3A_152 = arith.constant 1 : i32
      scf.for %scan3A_154 = %scan3A_149 to %scan3A_151 step %scan3A_152  : i32 {
        %broadcast_in_dim3A_155 = vector.broadcast %scan3A_154 : i32 to vector<16xi32>
        %gather3A_156 = tpu.vector_load_idx %arg12[%broadcast_in_dim3A_40, %broadcast_in_dim3A_155, %add3A_49] : memref<2x128x128xf32, #tpu.memory_space<vmem>>[vector<16xi32>, vector<16xi32>, vector<16xi32>], vector<16xf32>,
        tpu.vector_store_idx %arg13[%broadcast_in_dim3A_155, %add3A_61], %gather3A_156 : memref<128x160xf32, #tpu.memory_space<vmem>>[vector<16xi32>, vector<16xi32>], vector<16xf32>,
        %gather3A_157 = tpu.vector_load_idx %arg12[%broadcast_in_dim3A_40, %broadcast_in_dim3A_155, %add3A_52] : memref<2x128x128xf32, #tpu.memory_space<vmem>>[vector<16xi32>, vector<16xi32>, vector<16xi32>], vector<16xf32>,
        tpu.vector_store_idx %arg13[%broadcast_in_dim3A_155, %add3A_64], %gather3A_157 : memref<128x160xf32, #tpu.memory_space<vmem>>[vector<16xi32>, vector<16xi32>], vector<16xf32>,
        %gather3A_158 = tpu.vector_load_idx %arg12[%broadcast_in_dim3A_42, %broadcast_in_dim3A_155, %add3A_49] : memref<2x128x128xf32, #tpu.memory_space<vmem>>[vector<16xi32>, vector<16xi32>, vector<16xi32>], vector<16xf32>,
        tpu.vector_store_idx %arg13[%broadcast_in_dim3A_155, %add3A_67], %gather3A_158 : memref<128x160xf32, #tpu.memory_space<vmem>>[vector<16xi32>, vector<16xi32>], vector<16xf32>,
        %gather3A_159 = tpu.vector_load_idx %arg12[%broadcast_in_dim3A_42, %broadcast_in_dim3A_155, %add3A_52] : memref<2x128x128xf32, #tpu.memory_space<vmem>>[vector<16xi32>, vector<16xi32>, vector<16xi32>], vector<16xf32>,
        tpu.vector_store_idx %arg13[%broadcast_in_dim3A_155, %add3A_70], %gather3A_159 : memref<128x160xf32, #tpu.memory_space<vmem>>[vector<16xi32>, vector<16xi32>], vector<16xf32>,
      }
      %scan3A_153 = arith.constant 128 : i32
      "tpu.region"() ({
        %run_scoped3A = tpu.sem_alloc : memref<!tpu.dma_semaphore, #tpu.memory_space<semaphore_mem>>
        %dma_start3A_154 = arith.constant 0 : i32
        %dma_start3A_155 = tpu.memref_slice %arg10[%add3A_93, %dma_start3A_154] : memref<819200x160xf32, #tpu.memory_space<hbm>> -> memref<128x160xf32, #tpu.memory_space<hbm>>
        %dma_start3A_156 = arith.constant 0 : i32
        %dma_start3A_157 = tpu.memref_slice %arg10[%add3A_93, %dma_start3A_156] : memref<819200x160xf32, #tpu.memory_space<hbm>> -> memref<128x160xf32, #tpu.memory_space<hbm>>
        tpu.enqueue_dma source(%arg13 : memref<128x160xf32, #tpu.memory_space<vmem>>) target(%dma_start3A_157 : memref<128x160xf32, #tpu.memory_space<hbm>>) target_semaphore(%run_scoped3A : memref<!tpu.dma_semaphore, #tpu.memory_space<semaphore_mem>>)
        %dma_wait3A_158 = arith.constant 0 : i32
        %dma_wait3A_159 = tpu.memref_slice %arg10[%add3A_93, %dma_wait3A_158] : memref<819200x160xf32, #tpu.memory_space<hbm>> -> memref<128x160xf32, #tpu.memory_space<hbm>>
        %dma_wait3A_160 = arith.constant 0 : i32
        %dma_wait3A_161 = tpu.memref_slice %arg10[%add3A_93, %dma_wait3A_160] : memref<819200x160xf32, #tpu.memory_space<hbm>> -> memref<128x160xf32, #tpu.memory_space<hbm>>
        tpu.wait_dma2 semaphore(%run_scoped3A : memref<!tpu.dma_semaphore, #tpu.memory_space<semaphore_mem>>) src(%arg13 : memref<128x160xf32, #tpu.memory_space<vmem>>) dst(%dma_wait3A_161 : memref<128x160xf32, #tpu.memory_space<hbm>>)
        tpu.yield
      }) : () -> ()
    }
    %scan3A_87 = arith.constant 200 : i32
    return
  }
}

</mosaic_0001>

<sc_bundles>
// kernel: kernel.3.cloned.1.call-start
scs
__scs_entry_jumppad:
0x0: {  	(pc) =	sbr.rel $0x88, $3  }
0x1: {  	(tag) =	ssettag $0x0;
	lr =	simm.s32 $0x1  }
0x2: {  	[smem:$0x3F96] =	sst lr;
	_ =	strace $0xD0000000  }
0x3: {  	_ = 	snop  }
0x4: {  	_ = 	snop  }
0x5: {  	_ = 	snop  }
0x6: {  	_ = 	snop  }
0x7: {  	_ = 	snop  }
__scs_overlays_trampoline_lowered:
0x8: {  	[smem:$0x3FA5] =	sst s0  }
0x9: {  	[smem:$0x3FA6] =	sst s1  }
0xa: {  	[smem:$0x3FA7] =	sst s2  }
0xb: {  	[smem:$0x3FA8] =	sst s3  }
0xc: {  	[smem:$0x3FA9] =	sst s4  }
0xd: {  	[smem:$0x3FAA] =	sst s5  }
0xe: {  	[smem:$0x3FAB] =	sst s6  }
0xf: {  	[smem:$0x3FAC] =	sst s7  }
0x10: {  	[smem:$0x3FAD] =	sst s8  }
0x11: {  	[smem:$0x3FAE] =	sst s9;
	s0 =	simm.s32 @!p0 $0x0  }
0x12: {  	s1 =	sld [smem:$0x3F94];
	s0 =	simm.s32 @p0 $0x1  }
0x13: {  	[smem:$0x3FAF] =	sst s0;
	s0 =	simm.s32 @!p1 $0x0  }
0x14: {  	s2 =	sld [smem:$0x3F93];
	s0 =	simm.s32 @p1 $0x1  }
0x15: {  	[smem:$0x3FB0] =	sst s0;
	s0 =	simm.s32 @!p2 $0x0  }
0x16: {  	s3 =	sld [smem:$0x3FDB];
	s0 =	simm.s32 @p2 $0x1  }
0x17: {  	s4 =	simm.s32 $0x1BF5;
	[smem:$0x3FB2] =	sst s0  }
0x18: {  	s0 =	sld [smem:$0x3F95];
	_ =	swait.ge [sflag:s4], $0x0  }
0x19: {  	s7 =	sld [smem:$0x3F96]  }
0x1a: {  	s8 =	sadd.s32 $0xFFFFE003, lr  }
0x1b: {  	s9 =	sadd.s32 $0xFFFFFEF7, lr;
	s5 =	simm.s32 $0xFFFFFFFF;
	p2 =	slt.u32 s8, $0xFFFFF086  }
0x1c: {  	p1 =	slt.u32 s9, $0xF7A;
	s5 =	simm.s32 @!p2 $0x0  }
0x1d: {  	s5 =	simm.s32 @p1 $0x1;
	p0 =	seq.s32 s7, s2  }
0x1e: {  	s7 =	smul.u32 @!p0 $0xF7A, s2;
	p2 =	seq.s32 @!p0 s5, $0x0  }
0x1f: {  	s9 =	smul.u32 $0xF7A, s1;
	s8 =	simm.s32 @!p0 $0x1BF5;
	p2 =	por !p2, p0  }
0x20: {  	[sflag:s8] =	ssyncset.s32 @!p0 $0xFFFFF086;
	s6 =	sadd.s32 @!p0 s3, s7;
	s7 =	simm.s32 @!p0 $0x108  }
0x21: {  	s3 =	sadd.s32 s3, s9;
	s6 =	sadd.s32 @!p0 $0x88, s6;
	s7 =	simm.s32 @p2 $0x1082  }
0x22: {  	[simem:s7], [sflag:s8] =	dma.local @!p0 [hbm:s6], $0xF7A  }
0x23: {  	s9 =	sor.u32 $0xD0000000, s2;
	s6 =	simm.s32 $0x108;
	_ =	swait.ge @!p0 [sflag:s8], $0x0  }
0x24: {  	s3 =	sadd.s32 $0x88, s3;
	s6 =	simm.s32 @!p1 $0x1082;
	[sflag:s4] =	ssyncset.s32 $0xFFFFF086  }
0x25: {  	[simem:s6], [sflag:s4] =	dma.local [hbm:s3], $0xF7A  }
0x26: {  	[smem:$0x3F96] =	sst s1;
	(tag) =	ssettag s2;
	_ =	strace s9  }
0x27: {  	s1 =	sld [smem:$0x3FA6]  }
0x28: {  	s2 =	sld [smem:$0x3FA7]  }
0x29: {  	s4 =	sld [smem:$0x3FA9]  }
0x2a: {  	p0 =	seq.s32 s5, $0x0;
	s5 =	sld [smem:$0x3FAA]  }
0x2b: {  	s6 =	sld [smem:$0x3FAB]  }
0x2c: {  	s7 =	sld [smem:$0x3FAC]  }
0x2d: {  	s3 =	simm.s32 $0x108;
	s8 =	sld [smem:$0x3FAD]  }
0x2e: {  	s3 =	simm.s32 @!p0 $0x1082;
	s9 =	sld [smem:$0x3FAE]  }
0x2f: {  	lr =	sadd.s32 s0, s3;
	s0 =	sld [smem:$0x3FA5]  }
0x30: {  	s3 =	sld [smem:$0x3FA8]  }
0x31: {  	[smem:$0x3FB1] =	sst s10  }
0x32: {  	s10 =	sld [smem:$0x3FAF];
	_ =	sdelay $0x3  }
0x33: {  	p0 =	seq.s32 s10, $0x1;
	s10 =	sld [smem:$0x3FB1];
	_ =	sdelay $0x3  }
0x34: {  	[smem:$0x3FB1] =	sst s10  }
0x35: {  	s10 =	sld [smem:$0x3FB0];
	_ =	sdelay $0x3  }
0x36: {  	p1 =	seq.s32 s10, $0x1;
	s10 =	sld [smem:$0x3FB1];
	_ =	sdelay $0x3  }
0x37: {  	[smem:$0x3FB1] =	sst s10  }
0x38: {  	s10 =	sld [smem:$0x3FB2]  }
0x39: {  	_ = 	snop;
	(pc) =	sbr.ind lr, $3  }
0x3a: {  	_ = 	snop  }
0x3b: {  	_ = 	snop  }
0x3c: {  	p2 =	seq.s32 s10, $0x1;
	s10 =	sld [smem:$0x3FB1]  }
0x3d: {  	_ =	shalt  }
0x3e: {  	_ =	shalt  }
0x3f: {  	_ =	shalt  }
0x40: {  	_ =	shalt  }
0x41: {  	_ =	shalt  }
0x42: {  	_ =	shalt  }
0x43: {  	_ =	shalt  }
0x44: {  	_ =	shalt  }
0x45: {  	_ =	shalt  }
0x46: {  	_ =	shalt  }
0x47: {  	_ =	shalt  }
0x48: {  	_ =	shalt  }
0x49: {  	_ =	shalt  }
0x4a: {  	_ =	shalt  }
0x4b: {  	_ =	shalt  }
0x4c: {  	_ =	shalt  }
0x4d: {  	_ =	shalt  }
0x4e: {  	_ =	shalt  }
0x4f: {  	_ =	shalt  }
0x50: {  	_ =	shalt  }
0x51: {  	_ =	shalt  }
0x52: {  	_ =	shalt  }
0x53: {  	_ =	shalt  }
0x54: {  	_ =	shalt  }
0x55: {  	_ =	shalt  }
0x56: {  	_ =	shalt  }
0x57: {  	_ =	shalt  }
0x58: {  	_ =	shalt  }
0x59: {  	_ =	shalt  }
0x5a: {  	_ =	shalt  }
0x5b: {  	_ =	shalt  }
0x5c: {  	_ =	shalt  }
0x5d: {  	_ =	shalt  }
0x5e: {  	_ =	shalt  }
0x5f: {  	_ =	shalt  }
0x60: {  	_ =	shalt  }
0x61: {  	_ =	shalt  }
0x62: {  	_ =	shalt  }
0x63: {  	_ =	shalt  }
0x64: {  	_ =	shalt  }
0x65: {  	_ =	shalt  }
0x66: {  	_ =	shalt  }
0x67: {  	_ =	shalt  }
0x68: {  	_ =	shalt  }
0x69: {  	_ =	shalt  }
0x6a: {  	_ =	shalt  }
0x6b: {  	_ =	shalt  }
0x6c: {  	_ =	shalt  }
0x6d: {  	_ =	shalt  }
0x6e: {  	_ =	shalt  }
0x6f: {  	_ =	shalt  }
0x70: {  	_ =	shalt  }
0x71: {  	_ =	shalt  }
0x72: {  	_ =	shalt  }
0x73: {  	_ =	shalt  }
0x74: {  	_ =	shalt  }
0x75: {  	_ =	shalt  }
0x76: {  	_ =	shalt  }
0x77: {  	_ =	shalt  }
0x78: {  	_ =	shalt  }
0x79: {  	_ =	shalt  }
0x7a: {  	_ =	shalt  }
0x7b: {  	_ =	shalt  }
0x7c: {  	_ =	shalt  }
0x7d: {  	_ =	shalt  }
0x7e: {  	_ =	shalt  }
0x7f: {  	_ =	shalt  }
0x80: {  	_ =	shalt  }
0x81: {  	_ =	shalt  }
0x82: {  	_ =	shalt  }
0x83: {  	_ =	shalt  }
0x84: {  	_ =	shalt  }
0x85: {  	_ =	shalt  }
0x86: {  	_ =	shalt  }
0x87: {  	_ =	shalt  }
.Lfunc_end0:
.L_simem_size_0:
called_computation.1_lowered:
.L_overlay_start_0:
0x88: {  	s2 =	sld [smem:$0x3FD9]  }
0x89: {  	s3 =	sld [smem:$0x3FFE];
	_ =	sdelay $0x1  }
0x8a: {  	s1 =	srdreg.scid  }
0x8b: {  	s0 =	sand.u32 $0x1, s1  }
0x8c: {  	s17 =	sshll.u32 s0, $0xA;
	s2 =	sadd.s32 s3, s2  }
0x8d: {  	s2 =	sadd.s32 s2, s17  }
0x8e: {  	[smem:$0x3FBD] =	sst s2  }
0x8f: {  	_ = 	snop  }
0x90: {  	s2 =	sld [smem:$0x3FC4]  }
0x91: {  	s18 =	sld [smem:$0x3FBF]  }
0x92: {  	s4 =	sld [smem:$0x3FD0];
	(tm) =	ssettm $0x1  }
0x93: {  	s5 =	sld [smem:$0x3FFB];
	_ =	sdelay $0x3  }
0x94: {  	_ =	strace s5  }
0x95: {  	s5 =	sld [smem:$0x3FFC];
	_ =	sdelay $0x3  }
0x96: {  	_ =	strace s5  }
0x97: {  	s5 =	sld [smem:$0x3FFD];
	_ =	sdelay $0x3  }
0x98: {  	_ =	strace s5  }
0x99: {  	_ =	strace $0x8FFFFFFF  }
0x9a: {  	s19 =	sld [smem:$0x3FDB];
	_ =	sdelay $0x1  }
0x9b: {  	s6 =	simm.s32 $_scs_section_size  }
0x9c: {  	s7 =	simm.s32 $_size__tile_overlayer_lowered;
	s8 =	simm.s32 $_tile_overlayer_lowered  }
0x9d: {  	s22 =	simm.s32 $0x1BFF;
	s21 =	sshll.u32 s8, $0x1;
	s5 =	sadd.s32 s6, s19  }
0x9e: {  	s9 =	simm.s32 $0x0;
	s20 =	sshll.u32 s7, $0x1;
	s7 =	sadd.s32 s21, s5  }
0x9f: {  	[timem:s9], [sflag:s22] =	dma.local [hbm:s7], s20  }
0xa0: {  	_ =	swait.ge [sflag:s22], s20  }
0xa1: {  	s6 =	ssub.s32 $0x0, s20;
	[sflag:s22] =	ssyncset.done $0x0  }
0xa2: {  	[sflag:s22] =	ssyncadd.s32 s6;
	_ =	sdelay $0x1  }
0xa3: {  	s23 =	simm.s32 $0x1B8B  }
0xa4: {  	_ =	swait.ge [sflag:s23], $0x1  }
0xa5: {  	[sflag:s23] =	ssyncset.done $0x0  }
0xa6: {  	s25 =	simm.s32 $0x1B8E;
	s24 =	sld [smem:$0x3FFE];
	[sflag:s23] =	ssyncadd.s32 $0xFFFFFFFF  }
0xa7: {  	s26 =	simm.s32 $execute0_lowered;
	[smem:$0x3FD2] =	sst s25  }
0xa8: {  	s7 =	sshll.u32 s26, $0x1;
	_ =	strace $0x80000046;
	[dreg:$0x1] =	wrdreg $0xFFFFFFFF  }
0xa9: {  	s28 =	simm.s32 $_size_execute0_lowered;
	s5 =	sadd.s32 s5, s7;
	[dreg:$0x0] =	wrdreg $0x0  }
0xaa: {  	s7 =	sshll.u32 s28, $0x1;
	[dreg:$0x2] =	wrdreg s5  }
0xab: {  	[dreg:$0x3] =	wrdreg s7  }
0xac: {  	[dreg:$0x4] =	wrdreg $0xC0  }
0xad: {  	_ =	task [dreg:s9], $0x5FFFF  }
0xae: {  	[dreg:$0x1] =	wrdreg $0xFFFFFFFF  }
0xaf: {  	[dreg:$0x0] =	wrdreg $0x60  }
0xb0: {  	[dreg:$0x2] =	wrdreg s4  }
0xb1: {  	[dreg:$0x3] =	wrdreg s24  }
0xb2: {  	[dreg:$0x4] =	wrdreg s2  }
0xb3: {  	[dreg:$0x5] =	wrdreg s18  }
0xb4: {  	[dreg:$0x6] =	wrdreg $0x9  }
0xb5: {  	_ =	task.clear_ibuf [dreg:s9], $0x7FFFF;
	_ =	strace $0x90000046  }
0xb6: {  	s29 =	simm.s32 $0x9;
	_ =	strace $0x80000048  }
0xb7: {  	_ =	swait.ge [sflag:s29], $0x1  }
0xb8: {  	[sflag:s29] =	ssyncadd.s32 $0xFFFFFFFF  }
0xb9: {  	_ =	strace $0x90000048  }
0xba: {  	_ =	sfence  }
0xbb: {  	s30 =	sld [smem:$0x0];
	_ =	sdelay $0x2  }
0xbc: {  	s31 =	sshll.u32 s1, $0xD;
	s1 =	sshrl.u32 s1, $0x2  }
0xbd: {  	s3 =	sand.u32 $0x4000, s31;
	s1 =	sadd.s32 s1, s30  }
0xbe: {  	s0 =	sor.u32 s3, s0;
	s1 =	sshll.u32 s1, $0x11  }
0xbf: {  	s0 =	sor.u32 s1, s0  }
0xc0: {  	s0 =	sadd.s32 $0x8F2B, s0  }
0xc1: {  	[sflag:s0] =	ssyncadd.remote.s32 $0x1  }
0xc2: {  	_ =	sfence.sel $0xFFFF  }
0xc3: {  	[dreg:$0x0] =	wrdreg $0xFFFFFFFF;
	(pc) =	sbr.abs _section_cstart, $3  }
0xc4: {  	[dreg:$0x1] =	wrdreg $0xFFFFFFFF  }
0xc5: {  	_ =	task.clear_ibuf [dreg:s9], $0x2FFFF;
	_ =	strace $0x9FFFFFFF  }
0xc6: {  	(tm) =	ssettm $0x7FFFFFFF  }
0xc7: {  	_ =	shalt  }
tec
execute0_lowered:
.L_overlay_start_1:
0x0: {  	(tag) =	ssettag $0x1  }
0x1: {  	s1 =	rddreg [dreg:$0x0]  }
0x2: {  	s0 =	rddreg [dreg:$0x1]  }
0x3: {  	s3 =	rddreg [dreg:$0x3];
	s4 =	simm.s32 $0x0;
	s6 =	srdreg.scid  }
0x4: {  	s2 =	stileid.u32;
	s16 =	simm.s32 $0x12880;
	s17 =	simm.s32 $0x10400  }
0x5: {  	s18 =	simm.s32 $0x10C00;
	s19 =	simm.s32 $0x10200;
	s20 =	simm.s32 $0x80  }
0x6: {  	s21 =	simm.s32 $0x200;
	s22 =	simm.s32 $0x100;
	s23 =	simm.s32 $0x4200  }
0x7: {  	s24 =	simm.s32 $0x8200;
	s25 =	simm.s32 $0x1;
	s26 =	simm.s32 $0x0  }
0x8: {  	[smem:$0x7FF] =	sst s4;
	s5 =	sadd.s32 $0x2B1400, s0;
	s7 =	sadd.s32 $0x67400, s0  }
0x9: {  	v0 =	vlaneseq.u32;
	s8 =	sadd.s32 $0x12AA00, s0;
	s12 =	sand.u32 $0x1, s6;
	s9 =	sadd.s32 $0x3000, s0  }
0xa: {  	s10 =	sadd.s32 $0x2E00, s0;
	s11 =	sadd.s32 $0x315400, s0;
	v1 =	vor.u32 $0x10, v0;
	v2 =	vor.u32 $0x20, v0;
	s13 =	ssub.s32 $0x2, s12  }
0xb: {  	s15 =	sshll.u32 s2, $0x1;
	v3 =	vor.u32 $0x30, v0;
	v4 =	vor.u32 $0x40, v0;
	v5 =	vor.u32 $0x50, v0;
	_ =	strace $0x80000047;
	s14 =	sshrl.u32 s13, $0x1  }
0xc: {  	v6 =	vor.u32 $0x60, v0;
	v7 =	vor.u32 $0x70, v0;
	v8 =	vor.u32 $0x400, v0;
	s12 =	sor.u32 s12, s15;
	s15 =	simm.s32 $0x2;
	s31 =	ssub.s32 s13, s14  }
0xd: {  	v9 =	vor.u32 $0x410, v0;
	v10 =	vor.u32 $0x4000, v0;
	v11 =	vor.u32 $0x4010, v0;
	s12 =	smul.u32 $0x6400, s12;
	s14 =	simm.s32 $0x12800;
	s13 =	smax.u32 s31, $0x1  }
.LBB2_1:
0xe: {  	[tilespmem:s14], [sflag:$0x2] =	stream.linear.gather [hbm4b:s10+s4], $0x80, $0x38;
	[tilespmem:$0x12900] =	vst v63  }
0xf: {  	_ =	swait.ge [sflag:s15], $0x80  }
0x10: {  	[sflag:s15] =	ssyncset.done $0x0  }
0x11: {  	[sflag:s15] =	ssyncadd.s32 $0xFFFFFF80  }
0x12: {  	[tilespmem:s16], [sflag:$0x2] =	stream.linear.gather [hbm4b:s3+s4], $0x80, $0x38;
	[tilespmem:$0x12900] =	vst v63  }
0x13: {  	_ =	swait.ge [sflag:s15], $0x80  }
0x14: {  	[sflag:s15] =	ssyncset.done $0x0  }
0x15: {  	[sflag:s15] =	ssyncadd.s32 $0xFFFFFF80  }
0x16: {  	s0 =	rddreg [dreg:$0x2]  }
0x17: {  	[tilespmem:s17], [sflag:$0x2] =	stream.linear.gather [hbm4b:s0+s4], $0x500, $0x38;
	[tilespmem:$0x12900] =	vst v63  }
0x18: {  	_ =	swait.ge [sflag:s15], $0x500  }
0x19: {  	[sflag:s15] =	ssyncset.done $0x0  }
0x1a: {  	[sflag:s15] =	ssyncadd.s32 $0xFFFFFB00  }
0x1b: {  	[tilespmem:s18], [sflag:$0x2] =	stream.linear.gather [hbm4b:s9+s4], $0x1900, $0x38;
	[tilespmem:$0x12900] =	vst v63  }
0x1c: {  	_ =	swait.ge [sflag:s15], $0x1900  }
0x1d: {  	[sflag:s15] =	ssyncset.done $0x0  }
0x1e: {  	[sflag:s15] =	ssyncadd.s32 $0xFFFFE700  }
0x1f: {  	v12 =	vld.idx.msk [tilespmem:v0+s14+$0x0], $0xffff  }
0x20: {  	v13 =	vld.idx.msk [tilespmem:v1+s14+$0x0], $0xffff  }
0x21: {  	v14 =	vld.idx.msk [tilespmem:v2+s14+$0x0], $0xffff  }
0x22: {  	v15 =	vld.idx.msk [tilespmem:v3+s14+$0x0], $0xffff  }
0x23: {  	v16 =	vld.idx.msk [tilespmem:v4+s14+$0x0], $0xffff  }
0x24: {  	v17 =	vld.idx.msk [tilespmem:v5+s14+$0x0], $0xffff  }
0x25: {  	v18 =	vld.idx.msk [tilespmem:v6+s14+$0x0], $0xffff  }
0x26: {  	v19 =	vld.idx.msk [tilespmem:v7+s14+$0x0], $0xffff  }
0x27: {  	v20 =	vld.idx.msk [tilespmem:v0+s16+$0x0], $0xffff  }
0x28: {  	s28 =	simm.s32 $0x0;
	v21 =	vld.idx.msk [tilespmem:v1+s16+$0x0], $0xffff  }
.LBB2_2:
0x29: {  	s0 =	sshll.u32 s28, $0x7  }
0x2a: {  	s29 =	sadd.s32 s12, s0  }
0x2b: {  	s0 =	sshrl.u32 s29, $0x1  }
0x2c: {  	s31 =	simm.s32 $0x0;
	s30 =	sadd.s32 s1, s0  }
0x2d: {  	[tilespmem:s31], [sflag:$0x2] =	stream.linear.gather [hbm4b:s30+s31], $0x200, $0x38;
	[tilespmem:$0x12900] =	vst v63  }
0x2e: {  	_ =	swait.ge [sflag:s15], $0x200  }
0x2f: {  	[sflag:s15] =	ssyncset.done $0x0  }
0x30: {  	v22 =	vmov s31;
	s0 =	sadd.s32 s5, s0;
	s30 =	simm.s32 $0x1;
	[sflag:s15] =	ssyncadd.s32 $0xFFFFFE00  }
0x31: {  	v22 =	vand.u32 $0xFFFFFFFC, v22;
	[tilespmem:s19], [sflag:$0x2] =	stream.linear.gather [hbm4b:s0+s31], $0x200, $0x38;
	[tilespmem:$0x12900] =	vst v63  }
0x32: {  	v22 =	vbroadcast v22, $0x0;
	v23 =	vmov s30;
	_ =	swait.ge [sflag:s15], $0x200  }
0x33: {  	s2 =	simm.s32 $0x2;
	v23 =	vand.u32 $0xFFFFFFFD, v23;
	[sflag:s15] =	ssyncset.done $0x0  }
0x34: {  	v24 =	vmov s2;
	v23 =	vbroadcast v23, $0x0;
	[sflag:s15] =	ssyncadd.s32 $0xFFFFFE00  }
0x35: {  	v24 =	vand.u32 $0xFFFFFFFE, v24;
	[tilespmem:s21], [sflag:$0x1] =	stream.indirect.gather [hbm4b:s7+s20], $0x80, s20, s20, $0xb8;
	[tilespmem:$0x12900] =	vst v63  }
0x36: {  	v24 =	vbroadcast v24, $0x0  }
0x37: {  	[tilespmem:s23], [sflag:$0x1] =	stream.indirect.gather [hbm4b:s8+s20], $0x80, s22, s20, $0xb8;
	[tilespmem:$0x12900] =	vst v63  }
0x38: {  	s6 =	simm.s32 $0x3;
	v22 =	vld.idx.msk [tilespmem:v22+s19+$0x0], $0xffff  }
0x39: {  	v25 =	vmov s6  }
0x3a: {  	v23 =	vld.idx.msk [tilespmem:v23+s19+$0x0], $0xffff;
	_ =	sdelay $0x1  }
0x3b: {  	v24 =	vld.idx.msk [tilespmem:v24+s19+$0x0], $0xffff  }
0x3c: {  	v26 =	vmov s31;
	v27 =	vmul.f32 v22, v12  }
0x3d: {  	v28 =	vshll.u32 v26, $0x7;
	v25 =	vld.idx.msk [tilespmem:v25+s19+$0x0], $0xffff;
	v22 =	vmul.f32 v22, v13  }
0x3e: {  	v29 =	vshll.u32 v26, $0x8;
	v30 =	vmul.f32 v23, v14;
	v27 =	vadd.f32 v27, v20  }
0x3f: {  	v29 =	vand.u32 $0x7800, v29;
	v23 =	vmul.f32 v23, v15;
	v22 =	vadd.f32 v22, v21  }
0x40: {  	v28 =	vand.u32 $0x380, v28;
	v31 =	vmul.f32 v24, v16;
	v27 =	vadd.f32 v30, v27  }
0x41: {  	v28 =	vor.u32 v29, v28;
	v24 =	vmul.f32 v24, v17;
	v22 =	vadd.f32 v23, v22  }
0x42: {  	v63 =	vmul.f32 v25, v18;
	v23 =	vor.u32 v8, v28;
	v27 =	vadd.f32 v31, v27  }
0x43: {  	v22 =	vadd.f32 v24, v22;
	v24 =	vmul.f32 v25, v19;
	v25 =	vor.u32 v9, v28  }
0x44: {  	v27 =	vadd.f32 v63, v27  }
0x45: {  	v22 =	vadd.f32 v24, v22  }
0x46: {  	v24 =	vmax.f32 v27, $0.0e+00  }
0x47: {  	v22 =	vmax.f32 v22, $0.0e+00;
	[tilespmem:v23+s24+$0x0] =	vst.idx.msk $0xffff, v24  }
0x48: {  	[tilespmem:v25+s24+$0x0] =	vst.idx.msk $0xffff, v22  }
0x49: {  	v22 =	vld.idx.msk [tilespmem:v26+s4+$0x0], $0xffff  }
0x4a: {  	v23 =	vor.u32 $0x180, v26;
	_ =	sdelay $0x3  }
0x4b: {  	v22 =	vshll.u32 v22, $0x7  }
0x4c: {  	v23 =	vld.idx.msk [tilespmem:v23+s4+$0x0], $0xffff;
	v24 =	vor.u32 v0, v22;
	_ =	sdelay $0x4  }
0x4d: {  	v25 =	vor.u32 v0, v28;
	v23 =	vshll.u32 v23, $0x7;
	v24 =	vld.idx.msk [tilespmem:v24+s17+$0x0], $0xffff  }
0x4e: {  	v26 =	vor.u32 v0, v23;
	_ =	sdelay $0x3  }
0x4f: {  	[tilespmem:v25+s24+$0x0] =	vst.idx.msk $0xffff, v24  }
0x50: {  	v24 =	vor.u32 v6, v28;
	v25 =	vld.idx.msk [tilespmem:v26+s18+$0x0], $0xffff  }
0x51: {  	v22 =	vor.u32 v1, v22;
	_ =	sdelay $0x3  }
0x52: {  	[tilespmem:v24+s24+$0x0] =	vst.idx.msk $0xffff, v25  }
0x53: {  	v24 =	vor.u32 v1, v28;
	v25 =	vld.idx.msk [tilespmem:v22+s17+$0x0], $0xffff  }
0x54: {  	v26 =	vor.u32 v1, v23;
	_ =	sdelay $0x1  }
0x55: {  	s2 =	simm.s32 $0x5;
	s31 =	simm.s32 $0x4  }
0x56: {  	s6 =	simm.s32 $0x6;
	v23 =	vmov s2;
	v22 =	vmov s31  }
0x57: {  	v27 =	vmov s6;
	v23 =	vand.u32 $0xFFFFFFFD, v23;
	v22 =	vand.u32 $0xFFFFFFFC, v22;
	[tilespmem:v24+s24+$0x0] =	vst.idx.msk $0xffff, v25  }
0x58: {  	v22 =	vbroadcast v22, $0x0;
	v25 =	vand.u32 $0xFFFFFFFE, v27;
	v24 =	vor.u32 v7, v28;
	v26 =	vld.idx.msk [tilespmem:v26+s18+$0x0], $0xffff  }
0x59: {  	s0 =	simm.s32 $0x2;
	v23 =	vbroadcast v23, $0x0;
	v25 =	vbroadcast v25, $0x0  }
.LBB2_3:
0x5a: {  	p0 =	sne.s32 s0, $0x7F;
	s6 =	smov.u32 s0;
	s0 =	sadd.s32 $0x1, s0  }
0x5b: {  	s2 =	sadd.s32 $0x3, s31  }
0x5c: {  	v27 =	vmov s2  }
0x5d: {  	[tilespmem:v24+s24+$0x0] =	vst.idx.msk $0xffff, v26  }
0x5e: {  	v22 =	vld.idx.msk [tilespmem:v22+s19+$0x0], $0xffff  }
0x5f: {  	v23 =	vld.idx.msk [tilespmem:v23+s19+$0x0], $0xffff;
	_ =	sdelay $0x1  }
0x60: {  	v24 =	vld.idx.msk [tilespmem:v25+s19+$0x0], $0xffff  }
0x61: {  	v25 =	vmov s30;
	s30 =	smov.u32 s6  }
0x62: {  	v26 =	vld.idx.msk [tilespmem:v27+s19+$0x0], $0xffff;
	v27 =	vshll.u32 v25, $0x7  }
0x63: {  	v29 =	vshll.u32 v25, $0x8;
	v28 =	vmul.f32 v22, v12;
	v22 =	vmul.f32 v22, v13  }
0x64: {  	v29 =	vand.u32 $0x7800, v29;
	v30 =	vmul.f32 v23, v14;
	v23 =	vmul.f32 v23, v15  }
0x65: {  	v27 =	vand.u32 $0x380, v27;
	v28 =	vadd.f32 v28, v20;
	v22 =	vadd.f32 v22, v21  }
0x66: {  	v27 =	vor.u32 v29, v27;
	v31 =	vmul.f32 v24, v16;
	v24 =	vmul.f32 v24, v17  }
0x67: {  	v29 =	vor.u32 v8, v27;
	v28 =	vadd.f32 v30, v28;
	v22 =	vadd.f32 v23, v22  }
0x68: {  	v23 =	vmul.f32 v26, v18  }
0x69: {  	v28 =	vadd.f32 v31, v28;
	v22 =	vadd.f32 v24, v22;
	v24 =	vmul.f32 v26, v19  }
0x6a: {  	v26 =	vor.u32 v9, v27  }
0x6b: {  	v23 =	vadd.f32 v23, v28;
	v22 =	vadd.f32 v24, v22;
	_ =	sdelay $0x1  }
0x6c: {  	v23 =	vmax.f32 v23, $0.0e+00;
	v22 =	vmax.f32 v22, $0.0e+00  }
0x6d: {  	[tilespmem:v29+s24+$0x0] =	vst.idx.msk $0xffff, v23  }
0x6e: {  	[tilespmem:v26+s24+$0x0] =	vst.idx.msk $0xffff, v22;
	v22 =	vor.u32 $0x180, v25  }
0x6f: {  	v23 =	vld.idx.msk [tilespmem:v25+s4+$0x0], $0xffff;
	_ =	sdelay $0x3  }
0x70: {  	v22 =	vld.idx.msk [tilespmem:v22+s4+$0x0], $0xffff;
	_ =	sdelay $0x1  }
0x71: {  	v23 =	vshll.u32 v23, $0x7  }
0x72: {  	v24 =	vor.u32 v0, v23;
	_ =	sdelay $0x2  }
0x73: {  	v25 =	vor.u32 v0, v27;
	v22 =	vshll.u32 v22, $0x7  }
0x74: {  	v26 =	vor.u32 v0, v22  }
0x75: {  	v24 =	vld.idx.msk [tilespmem:v24+s17+$0x0], $0xffff;
	_ =	sdelay $0x4  }
0x76: {  	v28 =	vor.u32 v6, v27  }
0x77: {  	v23 =	vor.u32 v1, v23;
	[tilespmem:v25+s24+$0x0] =	vst.idx.msk $0xffff, v24  }
0x78: {  	v24 =	vld.idx.msk [tilespmem:v26+s18+$0x0], $0xffff;
	_ =	sdelay $0x4  }
0x79: {  	v25 =	vor.u32 v1, v27  }
0x7a: {  	v26 =	vor.u32 v1, v22;
	[tilespmem:v28+s24+$0x0] =	vst.idx.msk $0xffff, v24  }
0x7b: {  	v23 =	vld.idx.msk [tilespmem:v23+s17+$0x0], $0xffff;
	_ =	sdelay $0x1  }
0x7c: {  	s31 =	sadd.s32 $0x4, s31  }
0x7d: {  	v22 =	vmov s31  }
0x7e: {  	s2 =	sadd.s32 $0x1, s31;
	v22 =	vand.u32 $0xFFFFFFFC, v22  }
.Ltmp0:
0x7f: {  	v22 =	vbroadcast v22, $0x0;
	v28 =	vmov s2;
	v24 =	vor.u32 v7, v27;
	(pc) =	sbr.rel @p0 .LBB2_3-.Ltmp0, $4  }
0x80: {  	s2 =	sadd.s32 $0x2, s31;
	v27 =	vand.u32 $0xFFFFFFFD, v28;
	[tilespmem:v25+s24+$0x0] =	vst.idx.msk $0xffff, v23  }
0x81: {  	v23 =	vbroadcast v27, $0x0;
	v25 =	vmov s2;
	v26 =	vld.idx.msk [tilespmem:v26+s18+$0x0], $0xffff  }
0x82: {  	v25 =	vand.u32 $0xFFFFFFFE, v25  }
0x83: {  	v25 =	vbroadcast v25, $0x0  }
0x84: {  	_ =	sdelay $0x3  }
0x85: {  	[tilespmem:v24+s24+$0x0] =	vst.idx.msk $0xffff, v26  }
0x86: {  	s0 =	sadd.s32 $0x3, s31;
	v22 =	vld.idx.msk [tilespmem:v22+s19+$0x0], $0xffff  }
0x87: {  	v24 =	vmov s0  }
0x88: {  	v23 =	vld.idx.msk [tilespmem:v23+s19+$0x0], $0xffff;
	_ =	sdelay $0x1  }
0x89: {  	v25 =	vld.idx.msk [tilespmem:v25+s19+$0x0], $0xffff  }
0x8a: {  	v26 =	vmov s30;
	v27 =	vmul.f32 v22, v12  }
0x8b: {  	v28 =	vshll.u32 v26, $0x7;
	v24 =	vld.idx.msk [tilespmem:v24+s19+$0x0], $0xffff;
	v22 =	vmul.f32 v22, v13  }
0x8c: {  	v29 =	vshll.u32 v26, $0x8;
	v30 =	vmul.f32 v23, v14;
	v27 =	vadd.f32 v27, v20  }
0x8d: {  	v29 =	vand.u32 $0x7800, v29;
	v23 =	vmul.f32 v23, v15;
	v22 =	vadd.f32 v22, v21  }
0x8e: {  	v28 =	vand.u32 $0x380, v28;
	v31 =	vmul.f32 v25, v16;
	v27 =	vadd.f32 v30, v27  }
0x8f: {  	v28 =	vor.u32 v29, v28;
	v25 =	vmul.f32 v25, v17;
	v22 =	vadd.f32 v23, v22  }
0x90: {  	v23 =	vor.u32 v8, v28;
	v63 =	vmul.f32 v24, v18;
	v27 =	vadd.f32 v31, v27  }
0x91: {  	v24 =	vmul.f32 v24, v19;
	v22 =	vadd.f32 v25, v22;
	v25 =	vor.u32 v9, v28  }
0x92: {  	v27 =	vadd.f32 v63, v27  }
0x93: {  	v22 =	vadd.f32 v24, v22  }
0x94: {  	v24 =	vmax.f32 v27, $0.0e+00  }
0x95: {  	v22 =	vmax.f32 v22, $0.0e+00;
	[tilespmem:v23+s24+$0x0] =	vst.idx.msk $0xffff, v24  }
0x96: {  	[tilespmem:v25+s24+$0x0] =	vst.idx.msk $0xffff, v22  }
0x97: {  	v22 =	vld.idx.msk [tilespmem:v26+s4+$0x0], $0xffff  }
0x98: {  	v23 =	vor.u32 $0x180, v26;
	_ =	sdelay $0x3  }
0x99: {  	v22 =	vshll.u32 v22, $0x7  }
0x9a: {  	v23 =	vld.idx.msk [tilespmem:v23+s4+$0x0], $0xffff;
	v24 =	vor.u32 v0, v22;
	_ =	sdelay $0x4  }
0x9b: {  	v25 =	vor.u32 v0, v28;
	v23 =	vshll.u32 v23, $0x7;
	v24 =	vld.idx.msk [tilespmem:v24+s17+$0x0], $0xffff  }
0x9c: {  	v26 =	vor.u32 v0, v23;
	_ =	sdelay $0x3  }
0x9d: {  	[tilespmem:v25+s24+$0x0] =	vst.idx.msk $0xffff, v24  }
0x9e: {  	v24 =	vor.u32 v6, v28;
	v25 =	vld.idx.msk [tilespmem:v26+s18+$0x0], $0xffff  }
0x9f: {  	v22 =	vor.u32 v1, v22;
	_ =	sdelay $0x3  }
0xa0: {  	[tilespmem:v24+s24+$0x0] =	vst.idx.msk $0xffff, v25  }
0xa1: {  	v24 =	vor.u32 v1, v28;
	v22 =	vld.idx.msk [tilespmem:v22+s17+$0x0], $0xffff  }
0xa2: {  	v23 =	vor.u32 v1, v23;
	_ =	sdelay $0x3  }
0xa3: {  	[tilespmem:v24+s24+$0x0] =	vst.idx.msk $0xffff, v22  }
0xa4: {  	v22 =	vor.u32 v7, v28;
	v23 =	vld.idx.msk [tilespmem:v23+s18+$0x0], $0xffff;
	_ =	sdelay $0x3  }
0xa5: {  	s30 =	simm.s32 $0x0  }
0xa6: {  	[tilespmem:v22+s24+$0x0] =	vst.idx.msk $0xffff, v23;
	v22 =	vmov s30  }
0xa7: {  	_ =	swait.ge [sflag:s25], $0x4000;
	v23 =	vshll.u32 v22, $0x7  }
0xa8: {  	[sflag:s25] =	ssyncset.done $0x0;
	v24 =	vor.u32 v0, v23  }
0xa9: {  	[sflag:s25] =	ssyncadd.s32 $0xFFFFC000  }
0xaa: {  	v22 =	vshll.u32 v22, $0x8;
	_ =	swait.ge [sflag:s25], $0x4000  }
0xab: {  	v22 =	vand.u32 $0x7800, v22;
	v25 =	vand.u32 $0x380, v23;
	[sflag:s25] =	ssyncset.done $0x0  }
0xac: {  	v22 =	vor.u32 v25, v22;
	[sflag:s25] =	ssyncadd.s32 $0xFFFFC000  }
0xad: {  	v25 =	vor.u32 v2, v22;
	v24 =	vld.idx.msk [tilespmem:v24+s21+$0x0], $0xffff  }
0xae: {  	v26 =	vor.u32 v1, v23;
	_ =	sdelay $0x3  }
0xaf: {  	[tilespmem:v25+s24+$0x0] =	vst.idx.msk $0xffff, v24  }
0xb0: {  	v25 =	vor.u32 v3, v22;
	v24 =	vld.idx.msk [tilespmem:v26+s21+$0x0], $0xffff  }
0xb1: {  	v26 =	vor.u32 v10, v23;
	_ =	sdelay $0x3  }
0xb2: {  	[tilespmem:v25+s24+$0x0] =	vst.idx.msk $0xffff, v24  }
0xb3: {  	v25 =	vor.u32 v4, v22;
	v24 =	vld.idx.msk [tilespmem:v26+s21+$0x0], $0xffff  }
0xb4: {  	v23 =	vor.u32 v11, v23;
	_ =	sdelay $0x3  }
0xb5: {  	s31 =	simm.s32 $0x1;
	[tilespmem:v25+s24+$0x0] =	vst.idx.msk $0xffff, v24  }
0xb6: {  	s0 =	simm.s32 $0x2;
	v24 =	vmov s31;
	v23 =	vld.idx.msk [tilespmem:v23+s21+$0x0], $0xffff  }
.LBB2_5:
0xb7: {  	p0 =	sne.s32 s0, $0x7F;
	v25 =	vshll.u32 v24, $0x7;
	v22 =	vor.u32 v5, v22  }
0xb8: {  	v26 =	vor.u32 v0, v25;
	_ =	sdelay $0x2  }
0xb9: {  	v24 =	vshll.u32 v24, $0x8  }
0xba: {  	v24 =	vand.u32 $0x7800, v24;
	v27 =	vand.u32 $0x380, v25;
	[tilespmem:v22+s24+$0x0] =	vst.idx.msk $0xffff, v23  }
0xbb: {  	v22 =	vor.u32 v27, v24;
	v23 =	vld.idx.msk [tilespmem:v26+s21+$0x0], $0xffff  }
0xbc: {  	v24 =	vor.u32 v2, v22  }
0xbd: {  	v26 =	vor.u32 v1, v25;
	_ =	sdelay $0x3  }
0xbe: {  	[tilespmem:v24+s24+$0x0] =	vst.idx.msk $0xffff, v23  }
0xbf: {  	v23 =	vld.idx.msk [tilespmem:v26+s21+$0x0], $0xffff  }
0xc0: {  	v24 =	vor.u32 v3, v22  }
0xc1: {  	v26 =	vor.u32 v10, v25;
	_ =	sdelay $0x3  }
0xc2: {  	[tilespmem:v24+s24+$0x0] =	vst.idx.msk $0xffff, v23  }
0xc3: {  	v23 =	vld.idx.msk [tilespmem:v26+s21+$0x0], $0xffff  }
0xc4: {  	v24 =	vor.u32 v4, v22  }
0xc5: {  	v25 =	vor.u32 v11, v25  }
.Ltmp1:
0xc6: {  	(pc) =	sbr.rel @p0 .LBB2_5-.Ltmp1, $3  }
0xc7: {  	_ =	sdelay $0x1  }
0xc8: {  	[tilespmem:v24+s24+$0x0] =	vst.idx.msk $0xffff, v23  }
0xc9: {  	v24 =	vmov s0;
	s0 =	sadd.s32 $0x1, s0;
	v23 =	vld.idx.msk [tilespmem:v25+s21+$0x0], $0xffff  }
0xca: {  	v25 =	vshll.u32 v24, $0x7;
	v22 =	vor.u32 v5, v22  }
0xcb: {  	v26 =	vor.u32 v0, v25;
	_ =	sdelay $0x1  }
0xcc: {  	v59 =	vshll.u32 v24, $0x8  }
0xcd: {  	v24 =	vand.u32 $0x7800, v59;
	v27 =	vand.u32 $0x380, v25  }
0xce: {  	[tilespmem:v22+s24+$0x0] =	vst.idx.msk $0xffff, v23;
	v22 =	vor.u32 v27, v24  }
0xcf: {  	v23 =	vld.idx.msk [tilespmem:v26+s21+$0x0], $0xffff;
	v24 =	vor.u32 v2, v22  }
0xd0: {  	v60 =	vor.u32 v1, v25;
	_ =	sdelay $0x3  }
0xd1: {  	[tilespmem:v24+s24+$0x0] =	vst.idx.msk $0xffff, v23  }
0xd2: {  	v61 =	vor.u32 v3, v22;
	v23 =	vld.idx.msk [tilespmem:v60+s21+$0x0], $0xffff  }
0xd3: {  	v62 =	vor.u32 v10, v25;
	_ =	sdelay $0x3  }
0xd4: {  	[tilespmem:v61+s24+$0x0] =	vst.idx.msk $0xffff, v23  }
0xd5: {  	v63 =	vor.u32 v4, v22;
	v23 =	vld.idx.msk [tilespmem:v62+s21+$0x0], $0xffff  }
0xd6: {  	v25 =	vor.u32 v11, v25;
	_ =	sdelay $0x3  }
0xd7: {  	[tilespmem:v63+s24+$0x0] =	vst.idx.msk $0xffff, v23  }
0xd8: {  	v22 =	vor.u32 v5, v22;
	v23 =	vld.idx.msk [tilespmem:v25+s21+$0x0], $0xffff;
	_ =	sdelay $0x2  }
0xd9: {  	s28 =	sadd.s32 $0x1, s28  }
0xda: {  	s0 =	sshll.u32 s29, $0x5;
	p0 =	sne.s32 s28, $0xC8  }
.Ltmp2:
0xdb: {  	s0 =	sadd.s32 s11, s0;
	[tilespmem:v22+s24+$0x0] =	vst.idx.msk $0xffff, v23;
	(pc) =	sbr.rel @p0 .LBB2_2-.Ltmp2, $4  }
0xdc: {  	[hbm4b:s0+s4] =	stream.linear.scatter [tilespmem:s24], [sflag:$0x2], $0x8000, $0x38;
	[tilespmem:$0x12900] =	vst v63  }
0xdd: {  	_ =	swait.ge [sflag:s15], $0x8000  }
0xde: {  	[sflag:s15] =	ssyncset.done $0x0  }
0xdf: {  	[sflag:s15] =	ssyncadd.s32 $0xFFFF8000  }
0xe0: {  	s26 =	sadd.s32 $0x1, s26  }
0xe1: {  	p0 =	sne.s32 s26, s13  }
.Ltmp3:
0xe2: {  	_ = 	snop;
	(pc) =	sbr.rel @p0 .LBB2_1-.Ltmp3, $1  }
0xe3: {  	_ =	sdelay $0x3  }
0xe4: {  	_ =	sfence.sel $0x180000  }
0xe5: {  	[bflag:$0x0] =	sbarrier.arrive $0xFFFF  }
0xe6: {  	_ =	strace $0x90000047  }
0xe7: {  	s0 =	stileid.u32;
	[bflag:$0x2] =	sbarrier.arrive $0xFFFF  }
0xe8: {  	p0 =	sne.s32 s0, $0x0;
	s0 =	rddreg [dreg:$0x4]  }
0xe9: {  	s0 =	sadd.s32 @!p0 $0x100000, s0  }
0xea: {  	[sflag:s0] =	ssyncadd.tile.s32 @!p0 $0x1;
	_ =	shalt  }
.Lfunc_end2:
_tile_overlayer_lowered:
.L_overlay_start_2:
0xeb: {  	(tag) =	ssettag $0x2  }
0xec: {  	s0 =	rddreg [dreg:$0x0];
	s2 =	stileid.u32  }
0xed: {  	s1 =	rddreg [dreg:$0x1];
	p0 =	sne.s32 s2, $0x0  }
0xee: {  	s3 =	rddreg [dreg:$0x2];
	[bflag:$0x3] =	sbarrier.arrive $0xFFFF;
	s2 =	simm.s32 @!p0 $0x1C02  }
0xef: {  	[timem:s3], [sflag:s2] =	dma.local @!p0 [hbm:s0], s1  }
0xf0: {  	s0 =	simm.s32 @!p0 $0x2  }
0xf1: {  	_ =	swait.ge @!p0 [sflag:s0], s1  }
0xf2: {  	s1 =	ssub.s32 @!p0 $0x0, s1;
	[sflag:s0] =	ssyncset.done @!p0 $0x0  }
0xf3: {  	[sflag:s0] =	ssyncadd.s32 @!p0 s1  }
0xf4: {  	[bflag:$0x3] =	sbarrier.arrive $0xFFFF  }
0xf5: {  	_ =	shalt  }

// kernel: sparse-core-data-format-call.cloned.1.call-start
scs
called_computation_lowered:
.L_overlay_start_0:
0x0: {  	s2 =	sld [smem:$0x3FD9]  }
0x1: {  	s3 =	sld [smem:$0x3FFE];
	_ =	sdelay $0x1  }
0x2: {  	s1 =	srdreg.scid  }
0x3: {  	s0 =	sand.u32 $0x1, s1  }
0x4: {  	s18 =	sshll.u32 s0, $0xA;
	s2 =	sadd.s32 s3, s2  }
0x5: {  	s2 =	sadd.s32 s2, s18  }
0x6: {  	[smem:$0x3FBD] =	sst s2  }
0x7: {  	_ = 	snop  }
0x8: {  	s2 =	sld [smem:$0x3FD0];
	(tm) =	ssettm $0x1  }
0x9: {  	s19 =	sld [smem:$0x3FFB];
	_ =	sdelay $0x3  }
0xa: {  	_ =	strace s19  }
0xb: {  	s3 =	sld [smem:$0x3FFC];
	_ =	sdelay $0x3  }
0xc: {  	_ =	strace s3  }
0xd: {  	s3 =	sld [smem:$0x3FFD];
	_ =	sdelay $0x3  }
0xe: {  	_ =	strace s3  }
0xf: {  	_ =	strace $0x8FFFFFFF  }
0x10: {  	s20 =	sld [smem:$0x3FDB];
	_ =	sdelay $0x1  }
0x11: {  	s4 =	simm.s32 $_scs_section_size  }
0x12: {  	s5 =	simm.s32 $_size__tile_overlayer_lowered;
	s6 =	simm.s32 $_tile_overlayer_lowered  }
0x13: {  	s23 =	simm.s32 $0x1BFF;
	s22 =	sshll.u32 s6, $0x1;
	s3 =	sadd.s32 s4, s20  }
0x14: {  	s7 =	simm.s32 $0x0;
	s21 =	sshll.u32 s5, $0x1;
	s5 =	sadd.s32 s22, s3  }
0x15: {  	[timem:s7], [sflag:s23] =	dma.local [hbm:s5], s21  }
0x16: {  	_ =	swait.ge [sflag:s23], s21  }
0x17: {  	s4 =	ssub.s32 $0x0, s21;
	[sflag:s23] =	ssyncset.done $0x0  }
0x18: {  	[sflag:s23] =	ssyncadd.s32 s4;
	_ =	sdelay $0x1  }
0x19: {  	s24 =	simm.s32 $0x1B8B  }
0x1a: {  	_ =	swait.ge [sflag:s24], $0x1  }
0x1b: {  	[sflag:s24] =	ssyncset.done $0x0  }
0x1c: {  	s26 =	simm.s32 $0x1B8E;
	s25 =	sld [smem:$0x3FFE];
	[sflag:s24] =	ssyncadd.s32 $0xFFFFFFFF  }
0x1d: {  	s27 =	simm.s32 $execute0_lowered;
	[smem:$0x3FD2] =	sst s26  }
0x1e: {  	s5 =	sshll.u32 s27, $0x1;
	_ =	strace $0x80000049;
	[dreg:$0x1] =	wrdreg $0xFFFFFFFF  }
0x1f: {  	s28 =	simm.s32 $_size_execute0_lowered;
	s3 =	sadd.s32 s3, s5;
	[dreg:$0x0] =	wrdreg $0x0  }
0x20: {  	s5 =	sshll.u32 s28, $0x1;
	[dreg:$0x2] =	wrdreg s3  }
0x21: {  	[dreg:$0x3] =	wrdreg s5  }
0x22: {  	[dreg:$0x4] =	wrdreg $0xC0  }
0x23: {  	_ =	task [dreg:s7], $0x5FFFF  }
0x24: {  	[dreg:$0x1] =	wrdreg $0xFFFFFFFF  }
0x25: {  	[dreg:$0x0] =	wrdreg $0x60  }
0x26: {  	[dreg:$0x2] =	wrdreg s25  }
0x27: {  	[dreg:$0x3] =	wrdreg s2  }
0x28: {  	[dreg:$0x4] =	wrdreg $0x9  }
0x29: {  	_ =	task.clear_ibuf [dreg:s7], $0x5FFFF;
	_ =	strace $0x90000049  }
0x2a: {  	s29 =	simm.s32 $0x9;
	_ =	strace $0x8000004B  }
0x2b: {  	_ =	swait.ge [sflag:s29], $0x1  }
0x2c: {  	[sflag:s29] =	ssyncadd.s32 $0xFFFFFFFF  }
0x2d: {  	_ =	strace $0x9000004B  }
0x2e: {  	_ =	sfence  }
0x2f: {  	s30 =	sld [smem:$0x0];
	_ =	sdelay $0x2  }
0x30: {  	s31 =	sshll.u32 s1, $0xD;
	s1 =	sshrl.u32 s1, $0x2  }
0x31: {  	s3 =	sand.u32 $0x4000, s31;
	s1 =	sadd.s32 s1, s30  }
0x32: {  	s0 =	sor.u32 s3, s0;
	s1 =	sshll.u32 s1, $0x11  }
0x33: {  	s0 =	sor.u32 s1, s0  }
0x34: {  	s0 =	sadd.s32 $0x8F2B, s0  }
0x35: {  	[sflag:s0] =	ssyncadd.remote.s32 $0x1  }
0x36: {  	_ =	sfence.sel $0xFFFF  }
0x37: {  	[dreg:$0x0] =	wrdreg $0xFFFFFFFF;
	(pc) =	sbr.abs _section_cstart, $3  }
0x38: {  	[dreg:$0x1] =	wrdreg $0xFFFFFFFF  }
0x39: {  	_ =	task.clear_ibuf [dreg:s7], $0x2FFFF;
	_ =	strace $0x9FFFFFFF  }
0x3a: {  	(tm) =	ssettm $0x7FFFFFFF  }
0x3b: {  	_ =	shalt  }
tec
execute0_lowered:
.L_overlay_start_1:
0x0: {  	(tag) =	ssettag $0x1  }
0x1: {  	s0 =	srdreg.scid;
	s6 =	rddreg [dreg:$0x0]  }
0x2: {  	s3 =	rddreg [dreg:$0x1];
	s1 =	sshll.u32 s0, $0x4  }
0x3: {  	s5 =	simm.s32 $0x1;
	s0 =	stileid.u32;
	s1 =	sand.u32 $0x10, s1  }
0x4: {  	s31 =	simm.s32 $0x2;
	s16 =	simm.s32 $0x0;
	s1 =	sor.u32 s0, s1  }
0x5: {  	s8 =	simm.s32 $0x8000;
	s18 =	simm.s32 $0x0;
	s2 =	sshll.u32 s1, $0x7  }
0x6: {  	s17 =	simm.s32 $0x0;
	s9 =	simm.s32 $0x0;
	s4 =	ssub.s32 $0x1000, s2  }
0x7: {  	s10 =	simm.s32 $0x0;
	s11 =	simm.s32 $0x0;
	s30 =	sand.u32 $0xF80, s4  }
0x8: {  	s12 =	simm.s32 $0x0;
	s13 =	simm.s32 $0x0;
	p0 =	sne.s32 s30, $0x0  }
.Ltmp0:
0x9: {  	s7 =	sshrl.u32 s4, $0xC;
	s5 =	simm.s32 @!p0 $0x0;
	(pc) =	sbr.rel .LBB1_1-.Ltmp0, $4  }
0xa: {  	s15 =	simm.s32 $0x0;
	s1 =	rddreg [dreg:$0x2];
	s5 =	sadd.s32 s5, s7  }
0xb: {  	_ =	strace $0x8000004A;
	s4 =	simm.s32 $0x1;
	s5 =	smul.u32 $0x190, s5  }
0xc: {  	s6 =	sadd.s32 $0x315400, s6;
	s14 =	smov.u32 s2;
	[sflag:s4] =	ssyncpa.u1 $0x0  }
0xd: {  	[sflag:s31] =	ssyncpa.u1 $0x0;
	p0 =	por $0x0, $0x0;
	s7 =	sor.u32 $0x1, s5  }
.LBB1_4:
0xe: {  	s23 =	sshra.s32 s23, $0x2;
	s30 =	sshll.u32 s9, $0xC  }
0xf: {  	p1 =	sgt.s32 s10, $0xC7;
	s24 =	smov.u32 s10;
	s25 =	sshra.s32 s10, $0x1F  }
0x10: {  	s26 =	sshll.u32 s11, $0x3;
	s28 =	smov.u32 s11;
	s29 =	sshra.s32 s11, $0x1F  }
0x11: {  	s22 =	sadd.s32 s23, s22;
	s24 =	simm.s32 @!p1 $0xC7;
	s25 =	sand.u32 s25, s10  }
0x12: {  	s23 =	sand.u32 $0xFFFF8000, s30;
	s27 =	sand.u32 $0xFFFFFC00, s26;
	p1 =	sgt.s32 s9, $0x20  }
0x13: {  	s31 =	sand.u32 s29, s11;
	s29 =	sshll.u32 s9, $0x7;
	s30 =	sshra.s32 s9, $0x1F  }
0x14: {  	[tilespmem:s21+$0x2040 ss:$0x81] =	vst.msk $0xffff, v4;
	s24 =	ssub.s32 s24, s25;
	s23 =	sadd.s32 s27, s23;
	s27 =	smov.u32 s9  }
0x15: {  	[tilespmem:s21+$0x2850 ss:$0x81] =	vst.msk $0xffff, v3;
	s29 =	sand.u32 $0x380, s29;
	s25 =	sadd.s32 $0xFFFFFF39, s24;
	s27 =	simm.s32 @!p1 $0x20  }
0x16: {  	v5 =	vld [tilespmem:s20+$0xFFFFFFD0];
	[tilespmem:s21+$0x3060 ss:$0x81] =	vst.msk $0xffff, v2;
	p1 =	sgt.s32 s11, $0xF80;
	s23 =	sshrl.u32 s23, $0xC;
	s24 =	ssub.s32 $0xC8, s24  }
0x17: {  	v58 =	vld [tilespmem:s20+$0xFFFFFFE0];
	[tilespmem:s21+$0x0 ss:$0x81] =	vst.msk $0xffff, v1;
	s28 =	simm.s32 @!p1 $0xF80;
	p1 =	sgt.s32 s25, $0x0;
	s21 =	smulhi.u32 $0x199999A, s23  }
0x18: {  	v59 =	vld [tilespmem:s20+$0xFFFFFFF0];
	s25 =	ssub.s32 s28, s31;
	s28 =	sand.u32 s30, s9;
	s24 =	simm.s32 @p1 $0x0  }
0x19: {  	v60 =	vld [tilespmem:s20+$0x0];
	s27 =	ssub.s32 s27, s28;
	s31 =	sadd.s32 $0xFFFFF080, s25;
	s25 =	ssub.s32 $0x1000, s25  }
0x1a: {  	v61 =	vld [tilespmem:s20+$0x10];
	[tilespmem:s22+$0x3870 ss:$0x81] =	vst.msk $0xffff, v0;
	s21 =	smul.u32 $0xA0, s21;
	s28 =	sand.u32 $0x7, s11;
	p1 =	sgt.s32 s31, $0x7F  }
0x1b: {  	v62 =	vld [tilespmem:s20+$0x20];
	[tilespmem:s22+$0x810 ss:$0x81] =	vst.msk $0xffff, v5;
	s30 =	sadd.s32 $0xFFFFFFE0, s27;
	s31 =	sand.u32 $0x78, s11;
	s25 =	simm.s32 @p1 $0x0  }
0x1c: {  	v63 =	vld [tilespmem:s20+$0xFFFFFFC0];
	[tilespmem:s22+$0x1020 ss:$0x81] =	vst.msk $0xffff, v58;
	p1 =	sgt.s32 s30, $0x7F;
	s30 =	sand.u32 $0xC00, s26;
	s24 =	smul.u32 s25, s24  }
0x1d: {  	[tilespmem:s22+$0x1830 ss:$0x81] =	vst.msk $0xffff, v59;
	s26 =	ssub.s32 $0xA0, s27;
	s20 =	sor.u32 s31, s30;
	s31 =	smul.u32 $0x14000, s10  }
0x1e: {  	[tilespmem:s22+$0x2040 ss:$0x81] =	vst.msk $0xffff, v60;
	s21 =	ssub.s32 s23, s21;
	s26 =	simm.s32 @p1 $0x0;
	s20 =	sor.u32 s29, s20  }
0x1f: {  	[tilespmem:s22+$0x2850 ss:$0x81] =	vst.msk $0xffff, v61;
	s26 =	smul.u32 s26, s24;
	s20 =	sshrl.u32 s20, $0x3;
	s27 =	sadd.s32 s3, s31  }
0x20: {  	[tilespmem:s22+$0x3060 ss:$0x81] =	vst.msk $0xffff, v62;
	s21 =	sshll.u32 s21, $0x9;
	s29 =	sshll.u32 s28, $0x12;
	s20 =	sadd.s32 s20, s27  }
0x21: {  	[tilespmem:s22+$0x0 ss:$0x81] =	vst.msk $0xffff, v63;
	s31 =	sor.u32 $0x400, s29;
	s30 =	sand.u32 $0x3FFFFFFF, s26;
	s20 =	sadd.s32 s21, s20  }
0x22: {  	[hbm4b:s20+s31] =	stream.strided.scatter [tilespmem:s19], [sflag:$0x2], s30, s8, s31, $0x20;
	[tilespmem:$0x10100] =	vst v63  }
.LBB1_5:
0x23: {  	p1 =	slt.u32 s15, $0x2  }
0x24: {  	p2 =	sgt.s32 @!p1 s18, $0xC7  }
0x25: {  	s19 =	smov.u32 s18;
	s20 =	sshra.s32 @!p1 s18, $0x1F;
	p2 =	por !p2, p1  }
0x26: {  	s18 =	sand.u32 @!p1 s20, s18;
	s19 =	simm.s32 @p2 $0xC7  }
0x27: {  	p3 =	sgt.s32 @!p1 s16, $0x20;
	s18 =	ssub.s32 @!p1 s19, s18  }
0x28: {  	p4 =	sgt.s32 @!p1 s17, $0xF80;
	s21 =	sshra.s32 @!p1 s17, $0x1F;
	s19 =	sadd.s32 @!p1 $0xFFFFFF39, s18  }
0x29: {  	s20 =	smov.u32 s16;
	p2 =	sgt.s32 @!p1 s19, $0x0;
	s19 =	sshra.s32 @!p1 s16, $0x1F  }
0x2a: {  	p4 =	por !p4, p1;
	s16 =	sand.u32 @!p1 s19, s16;
	s19 =	smov.u32 s17  }
0x2b: {  	p3 =	por !p3, p1;
	s17 =	sand.u32 @!p1 s21, s17;
	s19 =	simm.s32 @p4 $0xF80  }
0x2c: {  	s20 =	simm.s32 @p3 $0x20;
	s18 =	ssub.s32 @!p1 $0xC8, s18;
	s17 =	ssub.s32 @!p1 s19, s17  }
0x2d: {  	p2 =	por !p2, p1;
	s16 =	ssub.s32 @!p1 s20, s16;
	s20 =	sadd.s32 @!p1 $0xFFFFF080, s17  }
0x2e: {  	s18 =	simm.s32 @!p2 $0x0;
	p3 =	sgt.s32 @!p1 s20, $0x7F  }
0x2f: {  	s19 =	sadd.s32 @!p1 $0xFFFFFFE0, s16;
	s17 =	ssub.s32 @!p1 $0x1000, s17;
	p3 =	por !p3, p1  }
0x30: {  	p2 =	sgt.s32 @!p1 s19, $0x7F;
	s19 =	sadd.s32 $0x80, s12;
	s17 =	simm.s32 @!p3 $0x0  }
0x31: {  	p3 =	sgt.s32 s19, $0x9F;
	s17 =	smul.u32 @!p1 s17, s18;
	s18 =	simm.s32 $0x1  }
0x32: {  	s16 =	ssub.s32 @!p1 $0xA0, s16;
	p2 =	por !p2, p1;
	s18 =	simm.s32 @!p3 $0x0  }
0x33: {  	s21 =	smov.u32 s14;
	s16 =	simm.s32 @!p2 $0x0;
	s20 =	sadd.s32 s18, s13  }
0x34: {  	s16 =	smul.u32 @!p1 s16, s17;
	s17 =	sadd.s32 $0x1000, s14;
	p2 =	sgt.s32 s20, $0xC7  }
0x35: {  	p0 =	por !p0, !p0;
	s22 =	simm.s32 @!p1 $0x2;
	s21 =	smov.u32 @p2 s17  }
0x36: {  	s19 =	simm.s32 @p3 $0x0;
	s20 =	simm.s32 @p2 $0x0;
	p2 =	sgt.s32 s21, $0xFFF  }
0x37: {  	s18 =	smov.u32 s10;
	s21 =	smov.u32 @p2 s2;
	p2 =	sne.s32 s15, s7  }
.Ltmp1:
0x38: {  	s10 =	smov.u32 s13;
	s16 =	sand.u32 @!p1 $0x3FFFFFFF, s16;
	(pc) =	sbr.rel @!p2 .LBB1_6-.Ltmp1, $4  }
0x39: {  	s17 =	smov.u32 s11;
	s11 =	smov.u32 s14;
	_ =	swait.ge @!p1 [sflag:s22], s16  }
0x3a: {  	s23 =	ssub.s32 @!p1 $0x0, s16;
	s16 =	smov.u32 s9;
	s9 =	smov.u32 s12  }
0x3b: {  	s12 =	smov.u32 s19;
	s13 =	smov.u32 s20;
	[sflag:s22] =	ssyncset.done @!p1 $0x0  }
0x3c: {  	s15 =	sadd.s32 $0x1, s15;
	[sflag:s22] =	ssyncadd.s32 @!p1 s23;
	s14 =	smov.u32 s21  }
.LBB1_1:
0x3d: {  	p1 =	sge.u32 s15, s5  }
0x3e: {  	s19 =	sshll.u32 @!p1 s13, $0x8;
	s20 =	sshll.u32 @!p1 s12, $0x3  }
0x3f: {  	s21 =	sshll.u32 @!p1 s13, $0x7;
	s19 =	sand.u32 @!p1 $0xFFFFF800, s19;
	s20 =	sand.u32 @!p1 $0xFFFFFC00, s20  }
0x40: {  	s19 =	sadd.s32 @!p1 s19, s20;
	s20 =	sand.u32 @!p1 $0x300, s21  }
0x41: {  	s19 =	sor.u32 @!p1 s20, s19  }
0x42: {  	s19 =	sshrl.u32 @!p1 s19, $0x8  }
0x43: {  	s31 =	sadd.s32 $0xFFFFFFFF, s15;
	s20 =	smulhi.u32 @!p1 $0x147AE15, s19  }
0x44: {  	s22 =	sxor.u32 @!p1 $0xFFFFFFFF, s15;
	s23 =	sand.u32 @!p1 $0x78, s12;
	s24 =	smul.u32 @!p1 $0x1900, s14  }
0x45: {  	s22 =	sshll.u32 @!p1 s22, $0xE;
	s21 =	sand.u32 @!p1 $0x80, s21;
	s20 =	smul.u32 @!p1 $0xC8, s20  }
0x46: {  	s22 =	sand.u32 @!p1 $0x4000, s22;
	s21 =	sor.u32 @!p1 s23, s21;
	s23 =	sand.u32 @!p1 $0x7, s12  }
0x47: {  	s19 =	ssub.s32 @!p1 s19, s20;
	s20 =	sshrl.u32 @!p1 s21, $0x3;
	s21 =	sadd.s32 @!p1 s6, s24  }
0x48: {  	s19 =	sshll.u32 @!p1 s19, $0x5;
	s20 =	sadd.s32 @!p1 s20, s21;
	s21 =	sshll.u32 @!p1 s23, $0x12  }
0x49: {  	s19 =	sadd.s32 @!p1 s19, s20;
	s20 =	sor.u32 @!p1 $0x80, s21;
	s21 =	simm.s32 @!p1 $0xC800  }
0x4a: {  	[tilespmem:s22], [sflag:$0x1] =	stream.strided.gather @!p1 [hbm4b:s19+s20], $0x4000, s21, s20, $0x38;
	[tilespmem:$0x10100] =	vst v63  }
0x4b: {  	p1 =	sge.u32 s31, s5  }
.Ltmp2:
0x4c: {  	_ = 	snop;
	(pc) =	sbr.rel @p1 .LBB1_5-.Ltmp2, $1  }
0x4d: {  	_ =	sdelay $0x3  }
0x4e: {  	s19 =	simm.s32 $0x1  }
0x4f: {  	_ =	swait.ge [sflag:s4], $0x4000;
	s19 =	simm.s32 @!p0 $0x0  }
0x50: {  	[sflag:s4] =	ssyncset.done $0x0;
	s20 =	sshll.u32 s19, $0xE  }
0x51: {  	[sflag:s4] =	ssyncadd.s32 $0xFFFFC000;
	s20 =	sor.u32 $0x40, s20  }
0x52: {  	s19 =	smul.u32 $0x10200, s19;
	v0 =	vld [tilespmem:s20+$0x30]  }
0x53: {  	v1 =	vld [tilespmem:s20+$0xFFFFFFD0]  }
0x54: {  	s19 =	sshrl.u32 s19, $0x2;
	v5 =	vld [tilespmem:s20+$0xFFFFFFE0]  }
0x55: {  	v6 =	vld [tilespmem:s20+$0xFFFFFFF0];
	s22 =	sor.u32 $0x8000, s19  }
0x56: {  	s31 =	sand.u32 $0x1, s15;
	v4 =	vld [tilespmem:s20+$0x0];
	s21 =	sadd.s32 $0x0, s22  }
0x57: {  	v3 =	vld [tilespmem:s20+$0x10];
	s19 =	smul.u32 $0x10200, s31;
	[tilespmem:s21+$0x3870 ss:$0x81] =	vst.msk $0xffff, v0  }
0x58: {  	v2 =	vld [tilespmem:s20+$0x20];
	[tilespmem:s21+$0x810 ss:$0x81] =	vst.msk $0xffff, v1  }
0x59: {  	s19 =	sshrl.u32 s19, $0x2;
	v1 =	vld [tilespmem:s20+$0xFFFFFFC0];
	[tilespmem:s21+$0x1020 ss:$0x81] =	vst.msk $0xffff, v5;
	s20 =	sadd.s32 $0x80, s20  }
0x5a: {  	s23 =	simm.s32 $0x4;
	s24 =	simm.s32 $0x8;
	s19 =	sor.u32 $0x8000, s19;
	[tilespmem:s21+$0x1830 ss:$0x81] =	vst.msk $0xffff, v6;
	v0 =	vld [tilespmem:s20+$0x30]  }
.LBB1_3:
0x5b: {  	p1 =	sne.s32 s24, $0x1FC;
	v5 =	vld [tilespmem:s20+$0xFFFFFFD0];
	[tilespmem:s21+$0x2040 ss:$0x81] =	vst.msk $0xffff, v4  }
0x5c: {  	v6 =	vld [tilespmem:s20+$0xFFFFFFE0];
	[tilespmem:s21+$0x2850 ss:$0x81] =	vst.msk $0xffff, v3  }
0x5d: {  	s25 =	sshra.s32 s23, $0x2;
	s23 =	smov.u32 s24;
	v7 =	vld [tilespmem:s20+$0xFFFFFFF0];
	[tilespmem:s21+$0x3060 ss:$0x81] =	vst.msk $0xffff, v2  }
.Ltmp3:
0x5e: {  	v4 =	vld [tilespmem:s20+$0x0];
	[tilespmem:s21+$0x0 ss:$0x81] =	vst.msk $0xffff, v1;
	s21 =	sadd.s32 s25, s22;
	(pc) =	sbr.rel @p1 .LBB1_3-.Ltmp3, $4  }
0x5f: {  	v3 =	vld [tilespmem:s20+$0x10];
	[tilespmem:s21+$0x3870 ss:$0x81] =	vst.msk $0xffff, v0  }
0x60: {  	[tilespmem:s21+$0x810 ss:$0x81] =	vst.msk $0xffff, v5;
	v2 =	vld [tilespmem:s20+$0x20]  }
0x61: {  	v1 =	vld [tilespmem:s20+$0xFFFFFFC0];
	[tilespmem:s21+$0x1020 ss:$0x81] =	vst.msk $0xffff, v6;
	s20 =	sadd.s32 $0x80, s20  }
0x62: {  	s24 =	sadd.s32 $0x4, s24;
	v0 =	vld [tilespmem:s20+$0x30];
	[tilespmem:s21+$0x1830 ss:$0x81] =	vst.msk $0xffff, v7  }
.Ltmp4:
0x63: {  	_ = 	snop;
	(pc) =	sbr.rel .LBB1_4-.Ltmp4, $1  }
0x64: {  	_ =	sdelay $0x3  }
.LBB1_6:
0x65: {  	_ =	sfence.sel $0x180000  }
0x66: {  	s2 =	simm.s32 $0x1;
	[bflag:$0x0] =	sbarrier.arrive $0xFFFF  }
0x67: {  	s31 =	simm.s32 $0x2;
	[sflag:s2] =	ssyncpa.u1 $0x1  }
0x68: {  	[sflag:s31] =	ssyncpa.u1 $0x1  }
0x69: {  	p0 =	sne.s32 s0, $0x0;
	_ =	strace $0x9000004A  }
0x6a: {  	s0 =	sadd.s32 @!p0 $0x100000, s1;
	[bflag:$0x2] =	sbarrier.arrive $0xFFFF  }
0x6b: {  	[sflag:s0] =	ssyncadd.tile.s32 @!p0 $0x1;
	_ =	shalt  }
.Lfunc_end1:
_tile_overlayer_lowered:
.L_overlay_start_2:
0x6c: {  	(tag) =	ssettag $0x2  }
0x6d: {  	s0 =	rddreg [dreg:$0x0];
	s2 =	stileid.u32  }
0x6e: {  	s1 =	rddreg [dreg:$0x1];
	p0 =	sne.s32 s2, $0x0  }
0x6f: {  	s3 =	rddreg [dreg:$0x2];
	[bflag:$0x3] =	sbarrier.arrive $0xFFFF;
	s2 =	simm.s32 @!p0 $0x1C01  }
0x70: {  	[timem:s3], [sflag:s2] =	dma.local @!p0 [hbm:s0], s1  }
0x71: {  	s0 =	simm.s32 @!p0 $0x1  }
0x72: {  	_ =	swait.ge @!p0 [sflag:s0], s1  }
0x73: {  	s1 =	ssub.s32 @!p0 $0x0, s1;
	[sflag:s0] =	ssyncset.done @!p0 $0x0  }
0x74: {  	[sflag:s0] =	ssyncadd.s32 @!p0 s1  }
0x75: {  	[bflag:$0x3] =	sbarrier.arrive $0xFFFF  }
0x76: {  	_ =	shalt  }

</sc_bundles>
